<compile_context>
chip_gen: v7x
topology: tpu7x:2x2x1
jax: 0.10.2.dev20260603
libtpu: 0.0.44.dev20260713+nightly
codegen_flags: <defaults>
</compile_context>

<pallas_src>
import functools

import jax
import jax.numpy as jnp
from jax import lax
from jax.experimental import pallas as pl
from jax.experimental.pallas import tpu as pltpu
from jax.experimental.pallas import tpu_sc as plsc

TEMP = 0.5


def _ln(xb, g, b):
    mu = jnp.mean(xb, axis=1, keepdims=True)
    xc = xb - mu
    var = jnp.mean(xc * xc, axis=1, keepdims=True)
    return xc * lax.rsqrt(var + 1e-5) * g + b


def _lnsum_body(x_ref, g_ref, b_ref, xn_ref, sums_ref, *, T, TD):
    s = pl.program_id(1)
    xn = _ln(x_ref[0], g_ref[...], b_ref[...])
    for t in range(T):
        xn_ref[0, t] = xn[:, t * TD:(t + 1) * TD].astype(jnp.bfloat16)

    @pl.when(s == 0)
    def _():
        sums_ref[...] = jnp.zeros_like(sums_ref)

    sums_ref[0] += jnp.sum(xn, axis=0, keepdims=True)


def _lnsum_call(x, gamma, beta, T, TD):
    B, S, D = x.shape
    S_CHK = 256
    grid = (B, S // S_CHK)
    xn_t, sums = pl.pallas_call(
        functools.partial(_lnsum_body, T=T, TD=TD),
        grid=grid,
        in_specs=[
            pl.BlockSpec((1, S_CHK, D), lambda b, s: (b, s, 0)),
            pl.BlockSpec((1, D), lambda b, s: (0, 0)),
            pl.BlockSpec((1, D), lambda b, s: (0, 0)),
        ],
        out_specs=[
            pl.BlockSpec((1, T, S_CHK, TD), lambda b, s: (b, 0, s, 0)),
            pl.BlockSpec((1, 1, D), lambda b, s: (b, 0, 0)),
        ],
        out_shape=[
            jax.ShapeDtypeStruct((B, T, S, TD), jnp.bfloat16),
            jax.ShapeDtypeStruct((B, 1, D), jnp.float32),
        ],
        compiler_params=pltpu.CompilerParams(
            dimension_semantics=("parallel", "arbitrary")),
    )(x, gamma.reshape(1, D), beta.reshape(1, D))
    return xn_t, sums


def _scores_body(sums_ref, wq_ref, bq_ref, wk_ref, bk_ref, sc_ref, *, B, T, S):
    repr_ = sums_ref[...] * (1.0 / S)
    q = jnp.dot(repr_, wq_ref[...], preferred_element_type=jnp.float32) + bq_ref[...]
    qn = jnp.sqrt(jnp.sum(q * q, axis=1, keepdims=True))
    q = q / jnp.maximum(qn, 1e-12)
    k = jnp.dot(repr_, wk_ref[...], preferred_element_type=jnp.float32) + bk_ref[...]
    kn = jnp.sqrt(jnp.sum(k * k, axis=1, keepdims=True))
    k = k / jnp.maximum(kn, 1e-12)
    rows = lax.broadcasted_iota(jnp.int32, (T, T), 0)
    cols = lax.broadcasted_iota(jnp.int32, (T, T), 1)
    diag = rows == cols
    for b in range(B):
        qb = q[b * T:(b + 1) * T]
        kb = k[b * T:(b + 1) * T]
        sc = lax.dot_general(qb, kb, (((1,), (1,)), ((), ())),
                             preferred_element_type=jnp.float32)
        sc_ref[b] = jnp.where(diag, -1e9, sc) * (1.0 / TEMP)


def _scores_call(sums, Wq, bq, Wk, bk, B, T, S):
    TD = Wq.shape[0]
    scores = pl.pallas_call(
        functools.partial(_scores_body, B=B, T=T, S=S),
        out_shape=jax.ShapeDtypeStruct((B, T, T), jnp.float32),
    )(sums.reshape(B * T, TD), Wq, bq.reshape(1, TD), Wk, bk.reshape(1, TD))
    return scores


def _routes_call(scores_flat):
    R, L = scores_flat.shape
    info = plsc.get_sparse_core_info()
    NC, NS = info.num_cores, info.num_subcores
    RPW = R // (NC * NS)
    mesh = plsc.VectorSubcoreMesh(core_axis_name="c", subcore_axis_name="s")

    @functools.partial(
        pl.kernel, mesh=mesh,
        compiler_params=pltpu.CompilerParams(needs_layout_passes=False),
        out_type=jax.ShapeDtypeStruct((R, L), jnp.int32),
        scratch_types=[
            pltpu.VMEM((RPW, L), jnp.float32),
            pltpu.VMEM((RPW, L), jnp.int32),
        ],
    )
    def k(sc_hbm, out_hbm, sc_v, idx_v):
        wid = lax.axis_index("s") * NC + lax.axis_index("c")
        base = wid * RPW
        pltpu.sync_copy(sc_hbm.at[pl.ds(base, RPW)], sc_v)
        iot = lax.iota(jnp.int32, L)
        for i in range(RPW):
            _, sv = plsc.sort_key_val(sc_v[i], iot, descending=True)
            idx_v[i] = sv
        pltpu.sync_copy(idx_v, out_hbm.at[pl.ds(base, RPW)])

    return k(scores_flat)


MLP_G = 8


def _mlp_body(routes_ref, xn_ref, x_ref, w1_ref, b1_ref, w2_ref,
              b2_ref, out_ref, *, T, TD, K, S_CHK):
    b = pl.program_id(0)
    G = MLP_G
    for g in range(T // G):
        ts = range(g * G, (g + 1) * G)
        lhs = jnp.concatenate([xn_ref[0, t] for t in ts], axis=0)
        acc = jnp.dot(lhs, w1_ref[0:TD], preferred_element_type=jnp.float32)
        for k in range(K):
            lhs = jnp.concatenate(
                [xn_ref[0, routes_ref[b, t, k]] for t in ts], axis=0)
            acc += jnp.dot(lhs, w1_ref[(k + 1) * TD:(k + 2) * TD],
                           preferred_element_type=jnp.float32)
        z = acc + b1_ref[...]
        h = z + z * lax.erf(z * (2.0 ** -0.5))
        res = (jnp.dot(h.astype(jnp.bfloat16), w2_ref[...],
                       preferred_element_type=jnp.float32) + b2_ref[...])
        for i, t in enumerate(ts):
            out_ref[0, :, t * TD:(t + 1) * TD] = (
                res[i * S_CHK:(i + 1) * S_CHK]
                + x_ref[0, :, t * TD:(t + 1) * TD])


def _mlp_call(routes, xn_t, x, W1, b1, W2, b2):
    B, S, D = x.shape
    CTX, HID = W1.shape
    TD = W2.shape[1]
    T = D // TD
    K = CTX // TD - 1
    S_CHK = 256
    grid = (B, S // S_CHK)

    grid_spec = pltpu.PrefetchScalarGridSpec(
        num_scalar_prefetch=1,
        grid=grid,
        in_specs=[
            pl.BlockSpec((1, T, S_CHK, TD), lambda b, s, rt: (b, 0, s, 0)),
            pl.BlockSpec((1, S_CHK, D), lambda b, s, rt: (b, s, 0)),
            pl.BlockSpec((CTX, HID), lambda b, s, rt: (0, 0)),
            pl.BlockSpec((1, HID), lambda b, s, rt: (0, 0)),
            pl.BlockSpec((HID, TD), lambda b, s, rt: (0, 0)),
            pl.BlockSpec((1, TD), lambda b, s, rt: (0, 0)),
        ],
        out_specs=pl.BlockSpec((1, S_CHK, D), lambda b, s, rt: (b, s, 0)),
    )
    return pl.pallas_call(
        functools.partial(_mlp_body, T=T, TD=TD, K=K, S_CHK=S_CHK),
        grid_spec=grid_spec,
        compiler_params=pltpu.CompilerParams(
            dimension_semantics=("parallel", "parallel")),
        out_shape=jax.ShapeDtypeStruct((B, S, D), jnp.float32),
    )(routes, xn_t, x,
      W1.astype(jnp.bfloat16), b1.reshape(1, HID),
      (W2 * 0.5).astype(jnp.bfloat16), b2.reshape(1, TD))


def kernel(x, gamma, beta, Wq, bq, Wk, bk, W1, b1, W2, b2):
    B, S, D = x.shape
    TD = W2.shape[1]
    T = D // TD
    xn_t, sums = _lnsum_call(x, gamma, beta, T, TD)
    scores = _scores_call(sums, Wq, bq, Wk, bk, B, T, S)
    idx_sorted = _routes_call(scores.reshape(B * T, T))
    routes = idx_sorted.reshape(B, T, T)[:, :, : (W1.shape[0] // TD - 1)]
    return _mlp_call(routes, xn_t, x, W1, b1, W2, b2)

# --- scband reference (transcript-rebuilt; emitter-appended) ---
"""Pipeline reference for scband-wormhole-tessellation-expert-84430467105122 (READ-ONLY COPY).

The authoritative reference and input builder live on the scoring server;
editing this copy changes nothing except your own understanding.
"""

import jax, jax.numpy as jnp
import numpy as np

B, S, D = 4, 2048, 4096
T = 16
TD = D // T  # 256
K = 4
TEMP = 0.5
CTX = TD * (1 + K)  # 1280
HID = TD * 2  # 512


def setup_inputs(seed: int = 0) -> dict:
    key = jax.random.key(seed)
    ks = jax.random.split(key, 8)
    inp = {
        "x": jax.random.normal(ks[0], (B, S, D), dtype=jnp.float32),
        "gamma": jnp.ones((D,), dtype=jnp.float32),
        "beta": jnp.zeros((D,), dtype=jnp.float32),
        "Wq": jax.random.normal(ks[1], (TD, TD), dtype=jnp.float32) * 0.02,
        "bq": jnp.zeros((TD,), dtype=jnp.float32),
        "Wk": jax.random.normal(ks[2], (TD, TD), dtype=jnp.float32) * 0.02,
        "bk": jnp.zeros((TD,), dtype=jnp.float32),
        "W1": jax.random.normal(ks[3], (CTX, HID), dtype=jnp.float32) * 0.02,
        "b1": jnp.zeros((HID,), dtype=jnp.float32),
        "W2": jax.random.normal(ks[4], (HID, TD), dtype=jnp.float32) * 0.02,
        "b2": jnp.zeros((TD,), dtype=jnp.float32),
    }
    return inp


def _l2norm(v):
    n = jnp.linalg.norm(v, axis=-1, keepdims=True)
    return v / jnp.maximum(n, 1e-12)


def reference(x, gamma, beta, Wq, bq, Wk, bk, W1, b1, W2, b2):
    # LayerNorm over last dim D
    mu = jnp.mean(x, axis=-1, keepdims=True)
    var = jnp.mean((x - mu) ** 2, axis=-1, keepdims=True)
    x_norm = (x - mu) / jnp.sqrt(var + 1e-5) * gamma + beta

    x_tiles = x_norm.reshape(B, S, T, TD)
    tile_repr = jnp.mean(x_tiles, axis=1)  # (B, T, TD)

    queries = _l2norm(tile_repr @ Wq + bq)
    keys = _l2norm(tile_repr @ Wk + bk)

    scores = jnp.einsum('btd,bud->btu', queries, keys)  # (B, T, T)
    eye = jnp.eye(T, dtype=bool)
    scores = jnp.where(eye[None, :, :], -1e9, scores)

    topk_scores, routes = jax.lax.top_k(scores / TEMP, K)  # (B, T, K)
    weights = jax.nn.softmax(topk_scores, axis=-1)  # computed but not used downstream (faithful)

    # gather wormhole tiles: gathered[b,s,t,k] = x_tiles[b,s,routes[b,t,k]]
    idx = jnp.broadcast_to(routes.reshape(B, 1, T * K, 1), (B, S, T * K, 1))
    gathered = jnp.take_along_axis(x_tiles, idx, axis=2)  # (B, S, T*K, TD)
    gathered_flat = gathered.reshape(B, S, T, K * TD)

    combined = jnp.concatenate([x_tiles, gathered_flat], axis=-1)  # (B, S, T, CTX)
    h = jax.nn.gelu(combined @ W1 + b1, approximate=False)
    out_tiles = h @ W2 + b2  # (B, S, T, TD)

    out = x + out_tiles.reshape(B, S, D)
    return out

if __name__ == "__main__":
    import jax
    _d = setup_inputs()
    print(jax.jit(kernel)(*tuple(_d.values())))

</pallas_src>

<mosaic_0001>
#map = affine_map<(d0, d1) -> (0, 0)>
module attributes {stable_mosaic.version = 14 : i64} {
  func.func @k(%arg0: i32, %arg1: i32, %arg2: memref<64x16xf32, #tpu.memory_space<hbm>>, %arg3: memref<64x16xi32, #tpu.memory_space<hbm>>, %arg4: memref<2x16xf32, #tpu.memory_space<vmem>>, %arg5: memref<2x16xi32, #tpu.memory_space<vmem>>) attributes {dimension_semantics = [#tpu.dimension_semantics<core_parallel>, #tpu.dimension_semantics<subcore_parallel>], iteration_bounds = array<i64: 2, 16>, scalar_prefetch = 0 : i64, scratch_operands = 2 : i64, tpu.core_type = #tpu.core_type<sc_vector_subcore>, window_params = [{transform_indices = #map}, {transform_indices = #map}]} {
    %mul3A = arith.constant 2 : i32
    %mul3A_0 = arith.muli %arg1, %mul3A : i32
    %add3A = arith.addi %mul3A_0, %arg0 : i32
    %mul3A_1 = arith.constant 2 : i32
    %mul3A_2 = arith.muli %add3A, %mul3A_1 : i32
    "tpu.region"() ({
      %run_scoped3A = tpu.sem_alloc : memref<!tpu.dma_semaphore, #tpu.memory_space<semaphore_mem>>
      %dma_start3A = arith.constant 0 : i32
      %dma_start3A_24 = tpu.memref_slice %arg2[%mul3A_2, %dma_start3A] : memref<64x16xf32, #tpu.memory_space<hbm>> -> memref<2x16xf32, #tpu.memory_space<hbm>>
      %dma_start3A_25 = arith.constant 0 : i32
      %dma_start3A_26 = tpu.memref_slice %arg2[%mul3A_2, %dma_start3A_25] : memref<64x16xf32, #tpu.memory_space<hbm>> -> memref<2x16xf32, #tpu.memory_space<hbm>>
      tpu.enqueue_dma source(%dma_start3A_26 : memref<2x16xf32, #tpu.memory_space<hbm>>) target(%arg4 : memref<2x16xf32, #tpu.memory_space<vmem>>) target_semaphore(%run_scoped3A : memref<!tpu.dma_semaphore, #tpu.memory_space<semaphore_mem>>)
      %dma_wait3A = arith.constant 0 : i32
      %dma_wait3A_27 = tpu.memref_slice %arg2[%mul3A_2, %dma_wait3A] : memref<64x16xf32, #tpu.memory_space<hbm>> -> memref<2x16xf32, #tpu.memory_space<hbm>>
      %dma_wait3A_28 = arith.constant 0 : i32
      %dma_wait3A_29 = tpu.memref_slice %arg2[%mul3A_2, %dma_wait3A_28] : memref<64x16xf32, #tpu.memory_space<hbm>> -> memref<2x16xf32, #tpu.memory_space<hbm>>
      tpu.wait_dma2 semaphore(%run_scoped3A : memref<!tpu.dma_semaphore, #tpu.memory_space<semaphore_mem>>) src(%dma_wait3A_29 : memref<2x16xf32, #tpu.memory_space<hbm>>) dst(%arg4 : memref<2x16xf32, #tpu.memory_space<vmem>>)
      tpu.yield
    }) : () -> ()
    %iota3A = tpu.iota {dimensions = array<i32: 0>} : vector<16xi32>
    %get3A = arith.constant 0 : i32
    %get3A_3 = arith.index_cast %get3A : i32 to index
    %get3A_4 = arith.constant 0 : index
    %get3A_5 = tpu.vector_load %arg4[%get3A_3, %get3A_4] {strides = array<i32>} : memref<2x16xf32, #tpu.memory_space<vmem>>, vector<16xf32>,
    %masked_sort3A = arith.constant dense<true> : vector<16xi1>
    %masked_sort3A_6, %masked_sort3A_7, %masked_sort3A_8 = tpu.sort %get3A_5, %iota3A masked %masked_sort3A {descending = true} : (vector<16xf32>, vector<16xi32>, vector<16xi1>) -> (vector<16xi1>, vector<16xf32>, vector<16xi32>)
    %swap3A = arith.constant 0 : i32
    %swap3A_9 = arith.index_cast %swap3A : i32 to index
    %swap3A_10 = arith.constant 0 : index
    %swap3A_11 = tpu.vector_load %arg5[%swap3A_9, %swap3A_10] {strides = array<i32>} : memref<2x16xi32, #tpu.memory_space<vmem>>, vector<16xi32>,
    tpu.vector_store %arg5[%swap3A_9, %swap3A_10], %masked_sort3A_8 {strides = array<i32>} : memref<2x16xi32, #tpu.memory_space<vmem>>, vector<16xi32>,
    %get3A_12 = arith.constant 1 : i32
    %get3A_13 = arith.index_cast %get3A_12 : i32 to index
    %get3A_14 = arith.constant 0 : index
    %get3A_15 = tpu.vector_load %arg4[%get3A_13, %get3A_14] {strides = array<i32>} : memref<2x16xf32, #tpu.memory_space<vmem>>, vector<16xf32>,
    %masked_sort3A_16 = arith.constant dense<true> : vector<16xi1>
    %masked_sort3A_17, %masked_sort3A_18, %masked_sort3A_19 = tpu.sort %get3A_15, %iota3A masked %masked_sort3A_16 {descending = true} : (vector<16xf32>, vector<16xi32>, vector<16xi1>) -> (vector<16xi1>, vector<16xf32>, vector<16xi32>)
    %swap3A_20 = arith.constant 1 : i32
    %swap3A_21 = arith.index_cast %swap3A_20 : i32 to index
    %swap3A_22 = arith.constant 0 : index
    %swap3A_23 = tpu.vector_load %arg5[%swap3A_21, %swap3A_22] {strides = array<i32>} : memref<2x16xi32, #tpu.memory_space<vmem>>, vector<16xi32>,
    tpu.vector_store %arg5[%swap3A_21, %swap3A_22], %masked_sort3A_19 {strides = array<i32>} : memref<2x16xi32, #tpu.memory_space<vmem>>, vector<16xi32>,
    "tpu.region"() ({
      %run_scoped3A = tpu.sem_alloc : memref<!tpu.dma_semaphore, #tpu.memory_space<semaphore_mem>>
      %dma_start3A = arith.constant 0 : i32
      %dma_start3A_24 = tpu.memref_slice %arg3[%mul3A_2, %dma_start3A] : memref<64x16xi32, #tpu.memory_space<hbm>> -> memref<2x16xi32, #tpu.memory_space<hbm>>
      %dma_start3A_25 = arith.constant 0 : i32
      %dma_start3A_26 = tpu.memref_slice %arg3[%mul3A_2, %dma_start3A_25] : memref<64x16xi32, #tpu.memory_space<hbm>> -> memref<2x16xi32, #tpu.memory_space<hbm>>
      tpu.enqueue_dma source(%arg5 : memref<2x16xi32, #tpu.memory_space<vmem>>) target(%dma_start3A_26 : memref<2x16xi32, #tpu.memory_space<hbm>>) target_semaphore(%run_scoped3A : memref<!tpu.dma_semaphore, #tpu.memory_space<semaphore_mem>>)
      %dma_wait3A = arith.constant 0 : i32
      %dma_wait3A_27 = tpu.memref_slice %arg3[%mul3A_2, %dma_wait3A] : memref<64x16xi32, #tpu.memory_space<hbm>> -> memref<2x16xi32, #tpu.memory_space<hbm>>
      %dma_wait3A_28 = arith.constant 0 : i32
      %dma_wait3A_29 = tpu.memref_slice %arg3[%mul3A_2, %dma_wait3A_28] : memref<64x16xi32, #tpu.memory_space<hbm>> -> memref<2x16xi32, #tpu.memory_space<hbm>>
      tpu.wait_dma2 semaphore(%run_scoped3A : memref<!tpu.dma_semaphore, #tpu.memory_space<semaphore_mem>>) src(%arg5 : memref<2x16xi32, #tpu.memory_space<vmem>>) dst(%dma_wait3A_29 : memref<2x16xi32, #tpu.memory_space<hbm>>)
      tpu.yield
    }) : () -> ()
    return
  }
}

module attributes {stable_mosaic.version = 14 : i64} {
  func.func @_lnsum_body(%arg0: i32, %arg1: i32, %arg2: memref<1x256x4096xf32, #tpu.memory_space<vmem>>, %arg3: memref<1x4096xf32, #tpu.memory_space<vmem>>, %arg4: memref<1x4096xf32, #tpu.memory_space<vmem>>, %arg5: memref<1x16x256x256xbf16, #tpu.memory_space<vmem>>, %arg6: memref<1x1x4096xf32, #tpu.memory_space<vmem>>) attributes {dimension_semantics = [#tpu.dimension_semantics<parallel>, #tpu.dimension_semantics<arbitrary>], iteration_bounds = array<i64: 4, 8>, scalar_prefetch = 0 : i64, scratch_operands = 0 : i64, tpu.core_type = #tpu.core_type<tc>, window_params = [{transform_indices = @transform_0, window_bounds = array<i64: 1, 256, 4096>}, {pipeline_mode = #tpu.pipeline_mode<synchronous>, transform_indices = @transform_1, window_bounds = array<i64: 1, 4096>}, {pipeline_mode = #tpu.pipeline_mode<synchronous>, transform_indices = @transform_2, window_bounds = array<i64: 1, 4096>}, {transform_indices = @transform_3, window_bounds = array<i64: 1, 16, 256, 256>}, {transform_indices = @transform_4, window_bounds = array<i64: 1, 1, 4096>}]} {
    %get3A = arith.constant 0 : index
    %get3A_0 = arith.constant 0 : index
    %get3A_1 = arith.constant 0 : index
    %get3A_2 = vector.load %arg2[%get3A, %get3A_0, %get3A_1] : memref<1x256x4096xf32, #tpu.memory_space<vmem>>, vector<1x256x4096xf32>
    %get3A_3 = vector.shape_cast %get3A_2 : vector<1x256x4096xf32> to vector<256x4096xf32>
    %get3A_4 = arith.constant 0 : index
    %get3A_5 = arith.constant 0 : index
    %get3A_6 = vector.load %arg3[%get3A_4, %get3A_5] : memref<1x4096xf32, #tpu.memory_space<vmem>>, vector<1x4096xf32>
    %get3A_7 = arith.constant 0 : index
    %get3A_8 = arith.constant 0 : index
    %get3A_9 = vector.load %arg4[%get3A_7, %get3A_8] : memref<1x4096xf32, #tpu.memory_space<vmem>>, vector<1x4096xf32>
    %reduce_sum3A = arith.constant dense<0.000000e+00> : vector<256xf32>
    %reduce_sum3A_10 = vector.multi_reduction <add>, %get3A_3, %reduce_sum3A [1] : vector<256x4096xf32> to vector<256xf32>
    %broadcast_in_dim3A = vector.shape_cast %reduce_sum3A_10 : vector<256xf32> to vector<256x1xf32>
    %div3A = arith.constant 4.096000e+03 : f32
    %div3A_11 = vector.broadcast %div3A : f32 to vector<256x1xf32>
    %div3A_12 = arith.divf %broadcast_in_dim3A, %div3A_11 : vector<256x1xf32>
    %sub3A = vector.broadcast %div3A_12 : vector<256x1xf32> to vector<256x4096xf32>
    %sub3A_13 = arith.subf %get3A_3, %sub3A : vector<256x4096xf32>
    %mul3A = arith.mulf %sub3A_13, %sub3A_13 : vector<256x4096xf32>
    %reduce_sum3A_14 = arith.constant dense<0.000000e+00> : vector<256xf32>
    %reduce_sum3A_15 = vector.multi_reduction <add>, %mul3A, %reduce_sum3A_14 [1] : vector<256x4096xf32> to vector<256xf32>
    %broadcast_in_dim3A_16 = vector.shape_cast %reduce_sum3A_15 : vector<256xf32> to vector<256x1xf32>
    %div3A_17 = arith.constant 4.096000e+03 : f32
    %div3A_18 = vector.broadcast %div3A_17 : f32 to vector<256x1xf32>
    %div3A_19 = arith.divf %broadcast_in_dim3A_16, %div3A_18 : vector<256x1xf32>
    %add3A = arith.constant 9.99999974E-6 : f32
    %add3A_20 = vector.broadcast %add3A : f32 to vector<256x1xf32>
    %add3A_21 = arith.addf %div3A_19, %add3A_20 : vector<256x1xf32>
    %rsqrt3A = math.rsqrt %add3A_21 : vector<256x1xf32>
    %mul3A_22 = vector.broadcast %rsqrt3A : vector<256x1xf32> to vector<256x4096xf32>
    %mul3A_23 = arith.mulf %sub3A_13, %mul3A_22 : vector<256x4096xf32>
    %mul3A_24 = vector.broadcast %get3A_6 : vector<1x4096xf32> to vector<256x4096xf32>
    %mul3A_25 = arith.mulf %mul3A_23, %mul3A_24 : vector<256x4096xf32>
    %add3A_26 = vector.broadcast %get3A_9 : vector<1x4096xf32> to vector<256x4096xf32>
    %add3A_27 = arith.addf %mul3A_25, %add3A_26 : vector<256x4096xf32>
    %slice3A = vector.extract_strided_slice %add3A_27 {offsets = [0, 0], sizes = [256, 256], strides = [1, 1]} : vector<256x4096xf32> to vector<256x256xf32>
    %convert_element_type3A = arith.truncf %slice3A : vector<256x256xf32> to vector<256x256xbf16>
    %swap3A = arith.constant 0 : index
    %swap3A_28 = arith.constant 0 : index
    %swap3A_29 = arith.constant 0 : index
    %swap3A_30 = arith.constant 0 : index
    %swap3A_31 = vector.load %arg5[%swap3A, %swap3A_28, %swap3A_29, %swap3A_30] : memref<1x16x256x256xbf16, #tpu.memory_space<vmem>>, vector<1x1x256x256xbf16>
    %swap3A_32 = vector.shape_cast %swap3A_31 : vector<1x1x256x256xbf16> to vector<256x256xbf16>
    %swap3A_33 = vector.shape_cast %convert_element_type3A : vector<256x256xbf16> to vector<1x1x256x256xbf16>
    tpu.vector_store %arg5[%swap3A, %swap3A_28, %swap3A_29, %swap3A_30], %swap3A_33 {strides = array<i32>} : memref<1x16x256x256xbf16, #tpu.memory_space<vmem>>, vector<1x1x256x256xbf16>,
    %slice3A_34 = vector.extract_strided_slice %add3A_27 {offsets = [0, 256], sizes = [256, 256], strides = [1, 1]} : vector<256x4096xf32> to vector<256x256xf32>
    %convert_element_type3A_35 = arith.truncf %slice3A_34 : vector<256x256xf32> to vector<256x256xbf16>
    %swap3A_36 = arith.constant 0 : index
    %swap3A_37 = arith.constant 1 : index
    %swap3A_38 = arith.constant 0 : index
    %swap3A_39 = arith.constant 0 : index
    %swap3A_40 = vector.load %arg5[%swap3A_36, %swap3A_37, %swap3A_38, %swap3A_39] : memref<1x16x256x256xbf16, #tpu.memory_space<vmem>>, vector<1x1x256x256xbf16>
    %swap3A_41 = vector.shape_cast %swap3A_40 : vector<1x1x256x256xbf16> to vector<256x256xbf16>
    %swap3A_42 = vector.shape_cast %convert_element_type3A_35 : vector<256x256xbf16> to vector<1x1x256x256xbf16>
    tpu.vector_store %arg5[%swap3A_36, %swap3A_37, %swap3A_38, %swap3A_39], %swap3A_42 {strides = array<i32>} : memref<1x16x256x256xbf16, #tpu.memory_space<vmem>>, vector<1x1x256x256xbf16>,
    %slice3A_43 = vector.extract_strided_slice %add3A_27 {offsets = [0, 512], sizes = [256, 256], strides = [1, 1]} : vector<256x4096xf32> to vector<256x256xf32>
    %convert_element_type3A_44 = arith.truncf %slice3A_43 : vector<256x256xf32> to vector<256x256xbf16>
    %swap3A_45 = arith.constant 0 : index
    %swap3A_46 = arith.constant 2 : index
    %swap3A_47 = arith.constant 0 : index
    %swap3A_48 = arith.constant 0 : index
    %swap3A_49 = vector.load %arg5[%swap3A_45, %swap3A_46, %swap3A_47, %swap3A_48] : memref<1x16x256x256xbf16, #tpu.memory_space<vmem>>, vector<1x1x256x256xbf16>
    %swap3A_50 = vector.shape_cast %swap3A_49 : vector<1x1x256x256xbf16> to vector<256x256xbf16>
    %swap3A_51 = vector.shape_cast %convert_element_type3A_44 : vector<256x256xbf16> to vector<1x1x256x256xbf16>
    tpu.vector_store %arg5[%swap3A_45, %swap3A_46, %swap3A_47, %swap3A_48], %swap3A_51 {strides = array<i32>} : memref<1x16x256x256xbf16, #tpu.memory_space<vmem>>, vector<1x1x256x256xbf16>,
    %slice3A_52 = vector.extract_strided_slice %add3A_27 {offsets = [0, 768], sizes = [256, 256], strides = [1, 1]} : vector<256x4096xf32> to vector<256x256xf32>
    %convert_element_type3A_53 = arith.truncf %slice3A_52 : vector<256x256xf32> to vector<256x256xbf16>
    %swap3A_54 = arith.constant 0 : index
    %swap3A_55 = arith.constant 3 : index
    %swap3A_56 = arith.constant 0 : index
    %swap3A_57 = arith.constant 0 : index
    %swap3A_58 = vector.load %arg5[%swap3A_54, %swap3A_55, %swap3A_56, %swap3A_57] : memref<1x16x256x256xbf16, #tpu.memory_space<vmem>>, vector<1x1x256x256xbf16>
    %swap3A_59 = vector.shape_cast %swap3A_58 : vector<1x1x256x256xbf16> to vector<256x256xbf16>
    %swap3A_60 = vector.shape_cast %convert_element_type3A_53 : vector<256x256xbf16> to vector<1x1x256x256xbf16>
    tpu.vector_store %arg5[%swap3A_54, %swap3A_55, %swap3A_56, %swap3A_57], %swap3A_60 {strides = array<i32>} : memref<1x16x256x256xbf16, #tpu.memory_space<vmem>>, vector<1x1x256x256xbf16>,
    %slice3A_61 = vector.extract_strided_slice %add3A_27 {offsets = [0, 1024], sizes = [256, 256], strides = [1, 1]} : vector<256x4096xf32> to vector<256x256xf32>
    %convert_element_type3A_62 = arith.truncf %slice3A_61 : vector<256x256xf32> to vector<256x256xbf16>
    %swap3A_63 = arith.constant 0 : index
    %swap3A_64 = arith.constant 4 : index
    %swap3A_65 = arith.constant 0 : index
    %swap3A_66 = arith.constant 0 : index
    %swap3A_67 = vector.load %arg5[%swap3A_63, %swap3A_64, %swap3A_65, %swap3A_66] : memref<1x16x256x256xbf16, #tpu.memory_space<vmem>>, vector<1x1x256x256xbf16>
    %swap3A_68 = vector.shape_cast %swap3A_67 : vector<1x1x256x256xbf16> to vector<256x256xbf16>
    %swap3A_69 = vector.shape_cast %convert_element_type3A_62 : vector<256x256xbf16> to vector<1x1x256x256xbf16>
    tpu.vector_store %arg5[%swap3A_63, %swap3A_64, %swap3A_65, %swap3A_66], %swap3A_69 {strides = array<i32>} : memref<1x16x256x256xbf16, #tpu.memory_space<vmem>>, vector<1x1x256x256xbf16>,
    %slice3A_70 = vector.extract_strided_slice %add3A_27 {offsets = [0, 1280], sizes = [256, 256], strides = [1, 1]} : vector<256x4096xf32> to vector<256x256xf32>
    %convert_element_type3A_71 = arith.truncf %slice3A_70 : vector<256x256xf32> to vector<256x256xbf16>
    %swap3A_72 = arith.constant 0 : index
    %swap3A_73 = arith.constant 5 : index
    %swap3A_74 = arith.constant 0 : index
    %swap3A_75 = arith.constant 0 : index
    %swap3A_76 = vector.load %arg5[%swap3A_72, %swap3A_73, %swap3A_74, %swap3A_75] : memref<1x16x256x256xbf16, #tpu.memory_space<vmem>>, vector<1x1x256x256xbf16>
    %swap3A_77 = vector.shape_cast %swap3A_76 : vector<1x1x256x256xbf16> to vector<256x256xbf16>
    %swap3A_78 = vector.shape_cast %convert_element_type3A_71 : vector<256x256xbf16> to vector<1x1x256x256xbf16>
    tpu.vector_store %arg5[%swap3A_72, %swap3A_73, %swap3A_74, %swap3A_75], %swap3A_78 {strides = array<i32>} : memref<1x16x256x256xbf16, #tpu.memory_space<vmem>>, vector<1x1x256x256xbf16>,
    %slice3A_79 = vector.extract_strided_slice %add3A_27 {offsets = [0, 1536], sizes = [256, 256], strides = [1, 1]} : vector<256x4096xf32> to vector<256x256xf32>
    %convert_element_type3A_80 = arith.truncf %slice3A_79 : vector<256x256xf32> to vector<256x256xbf16>
    %swap3A_81 = arith.constant 0 : index
    %swap3A_82 = arith.constant 6 : index
    %swap3A_83 = arith.constant 0 : index
    %swap3A_84 = arith.constant 0 : index
    %swap3A_85 = vector.load %arg5[%swap3A_81, %swap3A_82, %swap3A_83, %swap3A_84] : memref<1x16x256x256xbf16, #tpu.memory_space<vmem>>, vector<1x1x256x256xbf16>
    %swap3A_86 = vector.shape_cast %swap3A_85 : vector<1x1x256x256xbf16> to vector<256x256xbf16>
    %swap3A_87 = vector.shape_cast %convert_element_type3A_80 : vector<256x256xbf16> to vector<1x1x256x256xbf16>
    tpu.vector_store %arg5[%swap3A_81, %swap3A_82, %swap3A_83, %swap3A_84], %swap3A_87 {strides = array<i32>} : memref<1x16x256x256xbf16, #tpu.memory_space<vmem>>, vector<1x1x256x256xbf16>,
    %slice3A_88 = vector.extract_strided_slice %add3A_27 {offsets = [0, 1792], sizes = [256, 256], strides = [1, 1]} : vector<256x4096xf32> to vector<256x256xf32>
    %convert_element_type3A_89 = arith.truncf %slice3A_88 : vector<256x256xf32> to vector<256x256xbf16>
    %swap3A_90 = arith.constant 0 : index
    %swap3A_91 = arith.constant 7 : index
    %swap3A_92 = arith.constant 0 : index
    %swap3A_93 = arith.constant 0 : index
    %swap3A_94 = vector.load %arg5[%swap3A_90, %swap3A_91, %swap3A_92, %swap3A_93] : memref<1x16x256x256xbf16, #tpu.memory_space<vmem>>, vector<1x1x256x256xbf16>
    %swap3A_95 = vector.shape_cast %swap3A_94 : vector<1x1x256x256xbf16> to vector<256x256xbf16>
    %swap3A_96 = vector.shape_cast %convert_element_type3A_89 : vector<256x256xbf16> to vector<1x1x256x256xbf16>
    tpu.vector_store %arg5[%swap3A_90, %swap3A_91, %swap3A_92, %swap3A_93], %swap3A_96 {strides = array<i32>} : memref<1x16x256x256xbf16, #tpu.memory_space<vmem>>, vector<1x1x256x256xbf16>,
    %slice3A_97 = vector.extract_strided_slice %add3A_27 {offsets = [0, 2048], sizes = [256, 256], strides = [1, 1]} : vector<256x4096xf32> to vector<256x256xf32>
    %convert_element_type3A_98 = arith.truncf %slice3A_97 : vector<256x256xf32> to vector<256x256xbf16>
    %swap3A_99 = arith.constant 0 : index
    %swap3A_100 = arith.constant 8 : index
    %swap3A_101 = arith.constant 0 : index
    %swap3A_102 = arith.constant 0 : index
    %swap3A_103 = vector.load %arg5[%swap3A_99, %swap3A_100, %swap3A_101, %swap3A_102] : memref<1x16x256x256xbf16, #tpu.memory_space<vmem>>, vector<1x1x256x256xbf16>
    %swap3A_104 = vector.shape_cast %swap3A_103 : vector<1x1x256x256xbf16> to vector<256x256xbf16>
    %swap3A_105 = vector.shape_cast %convert_element_type3A_98 : vector<256x256xbf16> to vector<1x1x256x256xbf16>
    tpu.vector_store %arg5[%swap3A_99, %swap3A_100, %swap3A_101, %swap3A_102], %swap3A_105 {strides = array<i32>} : memref<1x16x256x256xbf16, #tpu.memory_space<vmem>>, vector<1x1x256x256xbf16>,
    %slice3A_106 = vector.extract_strided_slice %add3A_27 {offsets = [0, 2304], sizes = [256, 256], strides = [1, 1]} : vector<256x4096xf32> to vector<256x256xf32>
    %convert_element_type3A_107 = arith.truncf %slice3A_106 : vector<256x256xf32> to vector<256x256xbf16>
    %swap3A_108 = arith.constant 0 : index
    %swap3A_109 = arith.constant 9 : index
    %swap3A_110 = arith.constant 0 : index
    %swap3A_111 = arith.constant 0 : index
    %swap3A_112 = vector.load %arg5[%swap3A_108, %swap3A_109, %swap3A_110, %swap3A_111] : memref<1x16x256x256xbf16, #tpu.memory_space<vmem>>, vector<1x1x256x256xbf16>
    %swap3A_113 = vector.shape_cast %swap3A_112 : vector<1x1x256x256xbf16> to vector<256x256xbf16>
    %swap3A_114 = vector.shape_cast %convert_element_type3A_107 : vector<256x256xbf16> to vector<1x1x256x256xbf16>
    tpu.vector_store %arg5[%swap3A_108, %swap3A_109, %swap3A_110, %swap3A_111], %swap3A_114 {strides = array<i32>} : memref<1x16x256x256xbf16, #tpu.memory_space<vmem>>, vector<1x1x256x256xbf16>,
    %slice3A_115 = vector.extract_strided_slice %add3A_27 {offsets = [0, 2560], sizes = [256, 256], strides = [1, 1]} : vector<256x4096xf32> to vector<256x256xf32>
    %convert_element_type3A_116 = arith.truncf %slice3A_115 : vector<256x256xf32> to vector<256x256xbf16>
    %swap3A_117 = arith.constant 0 : index
    %swap3A_118 = arith.constant 10 : index
    %swap3A_119 = arith.constant 0 : index
    %swap3A_120 = arith.constant 0 : index
    %swap3A_121 = vector.load %arg5[%swap3A_117, %swap3A_118, %swap3A_119, %swap3A_120] : memref<1x16x256x256xbf16, #tpu.memory_space<vmem>>, vector<1x1x256x256xbf16>
    %swap3A_122 = vector.shape_cast %swap3A_121 : vector<1x1x256x256xbf16> to vector<256x256xbf16>
    %swap3A_123 = vector.shape_cast %convert_element_type3A_116 : vector<256x256xbf16> to vector<1x1x256x256xbf16>
    tpu.vector_store %arg5[%swap3A_117, %swap3A_118, %swap3A_119, %swap3A_120], %swap3A_123 {strides = array<i32>} : memref<1x16x256x256xbf16, #tpu.memory_space<vmem>>, vector<1x1x256x256xbf16>,
    %slice3A_124 = vector.extract_strided_slice %add3A_27 {offsets = [0, 2816], sizes = [256, 256], strides = [1, 1]} : vector<256x4096xf32> to vector<256x256xf32>
    %convert_element_type3A_125 = arith.truncf %slice3A_124 : vector<256x256xf32> to vector<256x256xbf16>
    %swap3A_126 = arith.constant 0 : index
    %swap3A_127 = arith.constant 11 : index
    %swap3A_128 = arith.constant 0 : index
    %swap3A_129 = arith.constant 0 : index
    %swap3A_130 = vector.load %arg5[%swap3A_126, %swap3A_127, %swap3A_128, %swap3A_129] : memref<1x16x256x256xbf16, #tpu.memory_space<vmem>>, vector<1x1x256x256xbf16>
    %swap3A_131 = vector.shape_cast %swap3A_130 : vector<1x1x256x256xbf16> to vector<256x256xbf16>
    %swap3A_132 = vector.shape_cast %convert_element_type3A_125 : vector<256x256xbf16> to vector<1x1x256x256xbf16>
    tpu.vector_store %arg5[%swap3A_126, %swap3A_127, %swap3A_128, %swap3A_129], %swap3A_132 {strides = array<i32>} : memref<1x16x256x256xbf16, #tpu.memory_space<vmem>>, vector<1x1x256x256xbf16>,
    %slice3A_133 = vector.extract_strided_slice %add3A_27 {offsets = [0, 3072], sizes = [256, 256], strides = [1, 1]} : vector<256x4096xf32> to vector<256x256xf32>
    %convert_element_type3A_134 = arith.truncf %slice3A_133 : vector<256x256xf32> to vector<256x256xbf16>
    %swap3A_135 = arith.constant 0 : index
    %swap3A_136 = arith.constant 12 : index
    %swap3A_137 = arith.constant 0 : index
    %swap3A_138 = arith.constant 0 : index
    %swap3A_139 = vector.load %arg5[%swap3A_135, %swap3A_136, %swap3A_137, %swap3A_138] : memref<1x16x256x256xbf16, #tpu.memory_space<vmem>>, vector<1x1x256x256xbf16>
    %swap3A_140 = vector.shape_cast %swap3A_139 : vector<1x1x256x256xbf16> to vector<256x256xbf16>
    %swap3A_141 = vector.shape_cast %convert_element_type3A_134 : vector<256x256xbf16> to vector<1x1x256x256xbf16>
    tpu.vector_store %arg5[%swap3A_135, %swap3A_136, %swap3A_137, %swap3A_138], %swap3A_141 {strides = array<i32>} : memref<1x16x256x256xbf16, #tpu.memory_space<vmem>>, vector<1x1x256x256xbf16>,
    %slice3A_142 = vector.extract_strided_slice %add3A_27 {offsets = [0, 3328], sizes = [256, 256], strides = [1, 1]} : vector<256x4096xf32> to vector<256x256xf32>
    %convert_element_type3A_143 = arith.truncf %slice3A_142 : vector<256x256xf32> to vector<256x256xbf16>
    %swap3A_144 = arith.constant 0 : index
    %swap3A_145 = arith.constant 13 : index
    %swap3A_146 = arith.constant 0 : index
    %swap3A_147 = arith.constant 0 : index
    %swap3A_148 = vector.load %arg5[%swap3A_144, %swap3A_145, %swap3A_146, %swap3A_147] : memref<1x16x256x256xbf16, #tpu.memory_space<vmem>>, vector<1x1x256x256xbf16>
    %swap3A_149 = vector.shape_cast %swap3A_148 : vector<1x1x256x256xbf16> to vector<256x256xbf16>
    %swap3A_150 = vector.shape_cast %convert_element_type3A_143 : vector<256x256xbf16> to vector<1x1x256x256xbf16>
    tpu.vector_store %arg5[%swap3A_144, %swap3A_145, %swap3A_146, %swap3A_147], %swap3A_150 {strides = array<i32>} : memref<1x16x256x256xbf16, #tpu.memory_space<vmem>>, vector<1x1x256x256xbf16>,
    %slice3A_151 = vector.extract_strided_slice %add3A_27 {offsets = [0, 3584], sizes = [256, 256], strides = [1, 1]} : vector<256x4096xf32> to vector<256x256xf32>
    %convert_element_type3A_152 = arith.truncf %slice3A_151 : vector<256x256xf32> to vector<256x256xbf16>
    %swap3A_153 = arith.constant 0 : index
    %swap3A_154 = arith.constant 14 : index
    %swap3A_155 = arith.constant 0 : index
    %swap3A_156 = arith.constant 0 : index
    %swap3A_157 = vector.load %arg5[%swap3A_153, %swap3A_154, %swap3A_155, %swap3A_156] : memref<1x16x256x256xbf16, #tpu.memory_space<vmem>>, vector<1x1x256x256xbf16>
    %swap3A_158 = vector.shape_cast %swap3A_157 : vector<1x1x256x256xbf16> to vector<256x256xbf16>
    %swap3A_159 = vector.shape_cast %convert_element_type3A_152 : vector<256x256xbf16> to vector<1x1x256x256xbf16>
    tpu.vector_store %arg5[%swap3A_153, %swap3A_154, %swap3A_155, %swap3A_156], %swap3A_159 {strides = array<i32>} : memref<1x16x256x256xbf16, #tpu.memory_space<vmem>>, vector<1x1x256x256xbf16>,
    %slice3A_160 = vector.extract_strided_slice %add3A_27 {offsets = [0, 3840], sizes = [256, 256], strides = [1, 1]} : vector<256x4096xf32> to vector<256x256xf32>
    %convert_element_type3A_161 = arith.truncf %slice3A_160 : vector<256x256xf32> to vector<256x256xbf16>
    %swap3A_162 = arith.constant 0 : index
    %swap3A_163 = arith.constant 15 : index
    %swap3A_164 = arith.constant 0 : index
    %swap3A_165 = arith.constant 0 : index
    %swap3A_166 = vector.load %arg5[%swap3A_162, %swap3A_163, %swap3A_164, %swap3A_165] : memref<1x16x256x256xbf16, #tpu.memory_space<vmem>>, vector<1x1x256x256xbf16>
    %swap3A_167 = vector.shape_cast %swap3A_166 : vector<1x1x256x256xbf16> to vector<256x256xbf16>
    %swap3A_168 = vector.shape_cast %convert_element_type3A_161 : vector<256x256xbf16> to vector<1x1x256x256xbf16>
    tpu.vector_store %arg5[%swap3A_162, %swap3A_163, %swap3A_164, %swap3A_165], %swap3A_168 {strides = array<i32>} : memref<1x16x256x256xbf16, #tpu.memory_space<vmem>>, vector<1x1x256x256xbf16>,
    %eq3A = arith.constant 0 : i32
    %eq3A_169 = arith.cmpi eq, %arg1, %eq3A : i32
    %convert_element_type3A_170 = arith.extui %eq3A_169 : i1 to i32
    %cond3A = arith.constant 0 : i32
    %cond3A_171 = arith.cmpi ne, %convert_element_type3A_170, %cond3A : i32
    scf.if %cond3A_171 {
      %broadcast_in_dim3A_187 = arith.constant 0.000000e+00 : f32
      %broadcast_in_dim3A_188 = vector.broadcast %broadcast_in_dim3A_187 : f32 to vector<1x1x4096xf32>
      %swap3A_189 = arith.constant 0 : index
      %swap3A_190 = arith.constant 0 : index
      %swap3A_191 = arith.constant 0 : index
      %swap3A_192 = vector.load %arg6[%swap3A_189, %swap3A_190, %swap3A_191] : memref<1x1x4096xf32, #tpu.memory_space<vmem>>, vector<1x1x4096xf32>
      tpu.vector_store %arg6[%swap3A_189, %swap3A_190, %swap3A_191], %broadcast_in_dim3A_188 {strides = array<i32>} : memref<1x1x4096xf32, #tpu.memory_space<vmem>>, vector<1x1x4096xf32>,
    } else {
    }
    %get3A_172 = arith.constant 0 : index
    %get3A_173 = arith.constant 0 : index
    %get3A_174 = arith.constant 0 : index
    %get3A_175 = vector.load %arg6[%get3A_172, %get3A_173, %get3A_174] : memref<1x1x4096xf32, #tpu.memory_space<vmem>>, vector<1x1x4096xf32>
    %get3A_176 = vector.shape_cast %get3A_175 : vector<1x1x4096xf32> to vector<1x4096xf32>
    %reduce_sum3A_177 = arith.constant dense<0.000000e+00> : vector<4096xf32>
    %reduce_sum3A_178 = vector.multi_reduction <add>, %add3A_27, %reduce_sum3A_177 [0] : vector<256x4096xf32> to vector<4096xf32>
    %broadcast_in_dim3A_179 = vector.shape_cast %reduce_sum3A_178 : vector<4096xf32> to vector<1x4096xf32>
    %add3A_180 = arith.addf %get3A_176, %broadcast_in_dim3A_179 : vector<1x4096xf32>
    %swap3A_181 = arith.constant 0 : index
    %swap3A_182 = arith.constant 0 : index
    %swap3A_183 = arith.constant 0 : index
    %swap3A_184 = vector.load %arg6[%swap3A_181, %swap3A_182, %swap3A_183] : memref<1x1x4096xf32, #tpu.memory_space<vmem>>, vector<1x1x4096xf32>
    %swap3A_185 = vector.shape_cast %swap3A_184 : vector<1x1x4096xf32> to vector<1x4096xf32>
    %swap3A_186 = vector.shape_cast %add3A_180 : vector<1x4096xf32> to vector<1x1x4096xf32>
    tpu.vector_store %arg6[%swap3A_181, %swap3A_182, %swap3A_183], %swap3A_186 {strides = array<i32>} : memref<1x1x4096xf32, #tpu.memory_space<vmem>>, vector<1x1x4096xf32>,
    return
  }
  func.func @transform_0(%arg0: i32, %arg1: i32) -> (i32, i32, i32) {
    %c0_i32 = arith.constant 0 : i32
    %c0_i32_0 = arith.constant 0 : i32
    return %arg0, %arg1, %c0_i32 : i32, i32, i32
  }
  func.func @transform_1(%arg0: i32, %arg1: i32) -> (i32, i32) {
    %c0_i32 = arith.constant 0 : i32
    %c0_i32_0 = arith.constant 0 : i32
    %c0_i32_1 = arith.constant 0 : i32
    return %c0_i32, %c0_i32_0 : i32, i32
  }
  func.func @transform_2(%arg0: i32, %arg1: i32) -> (i32, i32) {
    %c0_i32 = arith.constant 0 : i32
    %c0_i32_0 = arith.constant 0 : i32
    %c0_i32_1 = arith.constant 0 : i32
    return %c0_i32, %c0_i32_0 : i32, i32
  }
  func.func @transform_3(%arg0: i32, %arg1: i32) -> (i32, i32, i32, i32) {
    %c0_i32 = arith.constant 0 : i32
    %c0_i32_0 = arith.constant 0 : i32
    %c0_i32_1 = arith.constant 0 : i32
    return %arg0, %c0_i32, %arg1, %c0_i32_0 : i32, i32, i32, i32
  }
  func.func @transform_4(%arg0: i32, %arg1: i32) -> (i32, i32, i32) {
    %c0_i32 = arith.constant 0 : i32
    %c0_i32_0 = arith.constant 0 : i32
    %c0_i32_1 = arith.constant 0 : i32
    return %arg0, %c0_i32, %c0_i32_0 : i32, i32, i32
  }
}

module attributes {stable_mosaic.version = 14 : i64} {
  func.func @_scores_body(%arg0: memref<64x256xf32, #tpu.memory_space<vmem>>, %arg1: memref<256x256xf32, #tpu.memory_space<vmem>>, %arg2: memref<1x256xf32, #tpu.memory_space<vmem>>, %arg3: memref<256x256xf32, #tpu.memory_space<vmem>>, %arg4: memref<1x256xf32, #tpu.memory_space<vmem>>, %arg5: memref<4x16x16xf32, #tpu.memory_space<vmem>>) attributes {dimension_semantics = [], scalar_prefetch = 0 : i64, scratch_operands = 0 : i64, tpu.core_type = #tpu.core_type<tc>} {
    %get3A = arith.constant 0 : index
    %get3A_0 = arith.constant 0 : index
    %get3A_1 = vector.load %arg0[%get3A, %get3A_0] : memref<64x256xf32, #tpu.memory_space<vmem>>, vector<64x256xf32>
    %mul3A = arith.constant 4.8828125E-4 : f32
    %mul3A_2 = vector.broadcast %mul3A : f32 to vector<64x256xf32>
    %mul3A_3 = arith.mulf %get3A_1, %mul3A_2 : vector<64x256xf32>
    %get3A_4 = arith.constant 0 : index
    %get3A_5 = arith.constant 0 : index
    %get3A_6 = vector.load %arg1[%get3A_4, %get3A_5] : memref<256x256xf32, #tpu.memory_space<vmem>>, vector<256x256xf32>
    %dot_general3A = arith.constant dense<0.000000e+00> : vector<64x256xf32>
    %dot_general3A_7 = tpu.matmul %mul3A_3, %get3A_6, %dot_general3A {dimension_numbers = #tpu.dot_dimension_numbers<[1], [0], [0], [1], [0, 0, 1, 1], [], []>, transpose_lhs_hint = false} : vector<64x256xf32>, vector<256x256xf32>, vector<64x256xf32> -> vector<64x256xf32>
    %get3A_8 = arith.constant 0 : index
    %get3A_9 = arith.constant 0 : index
    %get3A_10 = vector.load %arg2[%get3A_8, %get3A_9] : memref<1x256xf32, #tpu.memory_space<vmem>>, vector<1x256xf32>
    %add3A = vector.broadcast %get3A_10 : vector<1x256xf32> to vector<64x256xf32>
    %add3A_11 = arith.addf %dot_general3A_7, %add3A : vector<64x256xf32>
    %mul3A_12 = arith.mulf %add3A_11, %add3A_11 : vector<64x256xf32>
    %reduce_sum3A = arith.constant dense<0.000000e+00> : vector<64xf32>
    %reduce_sum3A_13 = vector.multi_reduction <add>, %mul3A_12, %reduce_sum3A [1] : vector<64x256xf32> to vector<64xf32>
    %broadcast_in_dim3A = vector.shape_cast %reduce_sum3A_13 : vector<64xf32> to vector<64x1xf32>
    %sqrt3A = math.sqrt %broadcast_in_dim3A : vector<64x1xf32>
    %max3A = arith.constant 9.99999996E-13 : f32
    %max3A_14 = vector.broadcast %max3A : f32 to vector<64x1xf32>
    %max3A_15 = arith.maximumf %sqrt3A, %max3A_14 : vector<64x1xf32>
    %div3A = vector.broadcast %max3A_15 : vector<64x1xf32> to vector<64x256xf32>
    %div3A_16 = arith.divf %add3A_11, %div3A : vector<64x256xf32>
    %get3A_17 = arith.constant 0 : index
    %get3A_18 = arith.constant 0 : index
    %get3A_19 = vector.load %arg3[%get3A_17, %get3A_18] : memref<256x256xf32, #tpu.memory_space<vmem>>, vector<256x256xf32>
    %dot_general3A_20 = arith.constant dense<0.000000e+00> : vector<64x256xf32>
    %dot_general3A_21 = tpu.matmul %mul3A_3, %get3A_19, %dot_general3A_20 {dimension_numbers = #tpu.dot_dimension_numbers<[1], [0], [0], [1], [0, 0, 1, 1], [], []>, transpose_lhs_hint = false} : vector<64x256xf32>, vector<256x256xf32>, vector<64x256xf32> -> vector<64x256xf32>
    %get3A_22 = arith.constant 0 : index
    %get3A_23 = arith.constant 0 : index
    %get3A_24 = vector.load %arg4[%get3A_22, %get3A_23] : memref<1x256xf32, #tpu.memory_space<vmem>>, vector<1x256xf32>
    %add3A_25 = vector.broadcast %get3A_24 : vector<1x256xf32> to vector<64x256xf32>
    %add3A_26 = arith.addf %dot_general3A_21, %add3A_25 : vector<64x256xf32>
    %mul3A_27 = arith.mulf %add3A_26, %add3A_26 : vector<64x256xf32>
    %reduce_sum3A_28 = arith.constant dense<0.000000e+00> : vector<64xf32>
    %reduce_sum3A_29 = vector.multi_reduction <add>, %mul3A_27, %reduce_sum3A_28 [1] : vector<64x256xf32> to vector<64xf32>
    %broadcast_in_dim3A_30 = vector.shape_cast %reduce_sum3A_29 : vector<64xf32> to vector<64x1xf32>
    %sqrt3A_31 = math.sqrt %broadcast_in_dim3A_30 : vector<64x1xf32>
    %max3A_32 = arith.constant 9.99999996E-13 : f32
    %max3A_33 = vector.broadcast %max3A_32 : f32 to vector<64x1xf32>
    %max3A_34 = arith.maximumf %sqrt3A_31, %max3A_33 : vector<64x1xf32>
    %div3A_35 = vector.broadcast %max3A_34 : vector<64x1xf32> to vector<64x256xf32>
    %div3A_36 = arith.divf %add3A_26, %div3A_35 : vector<64x256xf32>
    %iota3A = tpu.iota {dimensions = array<i32: 0>} : vector<16x16xi32>
    %iota3A_37 = tpu.iota {dimensions = array<i32: 1>} : vector<16x16xi32>
    %eq3A = arith.cmpi eq, %iota3A, %iota3A_37 : vector<16x16xi32>
    %slice3A = vector.extract_strided_slice %div3A_16 {offsets = [0, 0], sizes = [16, 256], strides = [1, 1]} : vector<64x256xf32> to vector<16x256xf32>
    %slice3A_38 = vector.extract_strided_slice %div3A_36 {offsets = [0, 0], sizes = [16, 256], strides = [1, 1]} : vector<64x256xf32> to vector<16x256xf32>
    %dot_general3A_39 = arith.constant dense<0.000000e+00> : vector<16x16xf32>
    %dot_general3A_40 = tpu.matmul %slice3A, %slice3A_38, %dot_general3A_39 {dimension_numbers = #tpu.dot_dimension_numbers<[1], [1], [0], [0], [0, 0, 1, 0], [], []>, transpose_lhs_hint = false} : vector<16x256xf32>, vector<16x256xf32>, vector<16x16xf32> -> vector<16x16xf32>
    %jit3A = arith.constant -1.000000e+09 : f32
    %broadcast_in_dim3A_41 = vector.broadcast %jit3A : f32 to vector<16x16xf32>
    %select_n3A = arith.select %eq3A, %broadcast_in_dim3A_41, %dot_general3A_40 : vector<16x16xi1>, vector<16x16xf32>
    %mul3A_42 = arith.constant 2.000000e+00 : f32
    %mul3A_43 = vector.broadcast %mul3A_42 : f32 to vector<16x16xf32>
    %mul3A_44 = arith.mulf %select_n3A, %mul3A_43 : vector<16x16xf32>
    %swap3A = arith.constant 0 : index
    %swap3A_45 = arith.constant 0 : index
    %swap3A_46 = arith.constant 0 : index
    %swap3A_47 = vector.load %arg5[%swap3A, %swap3A_45, %swap3A_46] : memref<4x16x16xf32, #tpu.memory_space<vmem>>, vector<1x16x16xf32>
    %swap3A_48 = vector.shape_cast %swap3A_47 : vector<1x16x16xf32> to vector<16x16xf32>
    %swap3A_49 = vector.shape_cast %mul3A_44 : vector<16x16xf32> to vector<1x16x16xf32>
    tpu.vector_store %arg5[%swap3A, %swap3A_45, %swap3A_46], %swap3A_49 {strides = array<i32>} : memref<4x16x16xf32, #tpu.memory_space<vmem>>, vector<1x16x16xf32>,
    %slice3A_50 = vector.extract_strided_slice %div3A_16 {offsets = [16, 0], sizes = [16, 256], strides = [1, 1]} : vector<64x256xf32> to vector<16x256xf32>
    %slice3A_51 = vector.extract_strided_slice %div3A_36 {offsets = [16, 0], sizes = [16, 256], strides = [1, 1]} : vector<64x256xf32> to vector<16x256xf32>
    %dot_general3A_52 = arith.constant dense<0.000000e+00> : vector<16x16xf32>
    %dot_general3A_53 = tpu.matmul %slice3A_50, %slice3A_51, %dot_general3A_52 {dimension_numbers = #tpu.dot_dimension_numbers<[1], [1], [0], [0], [0, 0, 1, 0], [], []>, transpose_lhs_hint = false} : vector<16x256xf32>, vector<16x256xf32>, vector<16x16xf32> -> vector<16x16xf32>
    %jit3A_54 = arith.constant -1.000000e+09 : f32
    %broadcast_in_dim3A_55 = vector.broadcast %jit3A_54 : f32 to vector<16x16xf32>
    %select_n3A_56 = arith.select %eq3A, %broadcast_in_dim3A_55, %dot_general3A_53 : vector<16x16xi1>, vector<16x16xf32>
    %mul3A_57 = arith.constant 2.000000e+00 : f32
    %mul3A_58 = vector.broadcast %mul3A_57 : f32 to vector<16x16xf32>
    %mul3A_59 = arith.mulf %select_n3A_56, %mul3A_58 : vector<16x16xf32>
    %swap3A_60 = arith.constant 1 : index
    %swap3A_61 = arith.constant 0 : index
    %swap3A_62 = arith.constant 0 : index
    %swap3A_63 = vector.load %arg5[%swap3A_60, %swap3A_61, %swap3A_62] : memref<4x16x16xf32, #tpu.memory_space<vmem>>, vector<1x16x16xf32>
    %swap3A_64 = vector.shape_cast %swap3A_63 : vector<1x16x16xf32> to vector<16x16xf32>
    %swap3A_65 = vector.shape_cast %mul3A_59 : vector<16x16xf32> to vector<1x16x16xf32>
    tpu.vector_store %arg5[%swap3A_60, %swap3A_61, %swap3A_62], %swap3A_65 {strides = array<i32>} : memref<4x16x16xf32, #tpu.memory_space<vmem>>, vector<1x16x16xf32>,
    %slice3A_66 = vector.extract_strided_slice %div3A_16 {offsets = [32, 0], sizes = [16, 256], strides = [1, 1]} : vector<64x256xf32> to vector<16x256xf32>
    %slice3A_67 = vector.extract_strided_slice %div3A_36 {offsets = [32, 0], sizes = [16, 256], strides = [1, 1]} : vector<64x256xf32> to vector<16x256xf32>
    %dot_general3A_68 = arith.constant dense<0.000000e+00> : vector<16x16xf32>
    %dot_general3A_69 = tpu.matmul %slice3A_66, %slice3A_67, %dot_general3A_68 {dimension_numbers = #tpu.dot_dimension_numbers<[1], [1], [0], [0], [0, 0, 1, 0], [], []>, transpose_lhs_hint = false} : vector<16x256xf32>, vector<16x256xf32>, vector<16x16xf32> -> vector<16x16xf32>
    %jit3A_70 = arith.constant -1.000000e+09 : f32
    %broadcast_in_dim3A_71 = vector.broadcast %jit3A_70 : f32 to vector<16x16xf32>
    %select_n3A_72 = arith.select %eq3A, %broadcast_in_dim3A_71, %dot_general3A_69 : vector<16x16xi1>, vector<16x16xf32>
    %mul3A_73 = arith.constant 2.000000e+00 : f32
    %mul3A_74 = vector.broadcast %mul3A_73 : f32 to vector<16x16xf32>
    %mul3A_75 = arith.mulf %select_n3A_72, %mul3A_74 : vector<16x16xf32>
    %swap3A_76 = arith.constant 2 : index
    %swap3A_77 = arith.constant 0 : index
    %swap3A_78 = arith.constant 0 : index
    %swap3A_79 = vector.load %arg5[%swap3A_76, %swap3A_77, %swap3A_78] : memref<4x16x16xf32, #tpu.memory_space<vmem>>, vector<1x16x16xf32>
    %swap3A_80 = vector.shape_cast %swap3A_79 : vector<1x16x16xf32> to vector<16x16xf32>
    %swap3A_81 = vector.shape_cast %mul3A_75 : vector<16x16xf32> to vector<1x16x16xf32>
    tpu.vector_store %arg5[%swap3A_76, %swap3A_77, %swap3A_78], %swap3A_81 {strides = array<i32>} : memref<4x16x16xf32, #tpu.memory_space<vmem>>, vector<1x16x16xf32>,
    %slice3A_82 = vector.extract_strided_slice %div3A_16 {offsets = [48, 0], sizes = [16, 256], strides = [1, 1]} : vector<64x256xf32> to vector<16x256xf32>
    %slice3A_83 = vector.extract_strided_slice %div3A_36 {offsets = [48, 0], sizes = [16, 256], strides = [1, 1]} : vector<64x256xf32> to vector<16x256xf32>
    %dot_general3A_84 = arith.constant dense<0.000000e+00> : vector<16x16xf32>
    %dot_general3A_85 = tpu.matmul %slice3A_82, %slice3A_83, %dot_general3A_84 {dimension_numbers = #tpu.dot_dimension_numbers<[1], [1], [0], [0], [0, 0, 1, 0], [], []>, transpose_lhs_hint = false} : vector<16x256xf32>, vector<16x256xf32>, vector<16x16xf32> -> vector<16x16xf32>
    %jit3A_86 = arith.constant -1.000000e+09 : f32
    %broadcast_in_dim3A_87 = vector.broadcast %jit3A_86 : f32 to vector<16x16xf32>
    %select_n3A_88 = arith.select %eq3A, %broadcast_in_dim3A_87, %dot_general3A_85 : vector<16x16xi1>, vector<16x16xf32>
    %mul3A_89 = arith.constant 2.000000e+00 : f32
    %mul3A_90 = vector.broadcast %mul3A_89 : f32 to vector<16x16xf32>
    %mul3A_91 = arith.mulf %select_n3A_88, %mul3A_90 : vector<16x16xf32>
    %swap3A_92 = arith.constant 3 : index
    %swap3A_93 = arith.constant 0 : index
    %swap3A_94 = arith.constant 0 : index
    %swap3A_95 = vector.load %arg5[%swap3A_92, %swap3A_93, %swap3A_94] : memref<4x16x16xf32, #tpu.memory_space<vmem>>, vector<1x16x16xf32>
    %swap3A_96 = vector.shape_cast %swap3A_95 : vector<1x16x16xf32> to vector<16x16xf32>
    %swap3A_97 = vector.shape_cast %mul3A_91 : vector<16x16xf32> to vector<1x16x16xf32>
    tpu.vector_store %arg5[%swap3A_92, %swap3A_93, %swap3A_94], %swap3A_97 {strides = array<i32>} : memref<4x16x16xf32, #tpu.memory_space<vmem>>, vector<1x16x16xf32>,
    return
  }
}

module attributes {stable_mosaic.version = 14 : i64} {
  func.func @_mlp_body(%arg0: i32, %arg1: i32, %arg2: memref<4x16x4xi32, #tpu.memory_space<smem>>, %arg3: memref<1x16x256x256xbf16, #tpu.memory_space<vmem>>, %arg4: memref<1x256x4096xf32, #tpu.memory_space<vmem>>, %arg5: memref<1280x512xbf16, #tpu.memory_space<vmem>>, %arg6: memref<1x512xf32, #tpu.memory_space<vmem>>, %arg7: memref<512x256xbf16, #tpu.memory_space<vmem>>, %arg8: memref<1x256xf32, #tpu.memory_space<vmem>>, %arg9: memref<1x256x4096xf32, #tpu.memory_space<vmem>>) attributes {dimension_semantics = [#tpu.dimension_semantics<parallel>, #tpu.dimension_semantics<parallel>], iteration_bounds = array<i64: 4, 8>, scalar_prefetch = 1 : i64, scratch_operands = 0 : i64, tpu.core_type = #tpu.core_type<tc>, window_params = [{transform_indices = @transform_0, window_bounds = array<i64: 1, 16, 256, 256>}, {transform_indices = @transform_1, window_bounds = array<i64: 1, 256, 4096>}, {pipeline_mode = #tpu.pipeline_mode<synchronous>, transform_indices = @transform_2, window_bounds = array<i64: 1280, 512>}, {pipeline_mode = #tpu.pipeline_mode<synchronous>, transform_indices = @transform_3, window_bounds = array<i64: 1, 512>}, {pipeline_mode = #tpu.pipeline_mode<synchronous>, transform_indices = @transform_4, window_bounds = array<i64: 512, 256>}, {pipeline_mode = #tpu.pipeline_mode<synchronous>, transform_indices = @transform_5, window_bounds = array<i64: 1, 256>}, {transform_indices = @transform_6, window_bounds = array<i64: 1, 256, 4096>}]} {
    %get3A = arith.constant 0 : index
    %get3A_0 = arith.constant 0 : index
    %get3A_1 = arith.constant 0 : index
    %get3A_2 = arith.constant 0 : index
    %get3A_3 = vector.load %arg3[%get3A, %get3A_0, %get3A_1, %get3A_2] : memref<1x16x256x256xbf16, #tpu.memory_space<vmem>>, vector<1x1x256x256xbf16>
    %get3A_4 = vector.shape_cast %get3A_3 : vector<1x1x256x256xbf16> to vector<256x256xbf16>
    %get3A_5 = arith.constant 0 : index
    %get3A_6 = arith.constant 1 : index
    %get3A_7 = arith.constant 0 : index
    %get3A_8 = arith.constant 0 : index
    %get3A_9 = vector.load %arg3[%get3A_5, %get3A_6, %get3A_7, %get3A_8] : memref<1x16x256x256xbf16, #tpu.memory_space<vmem>>, vector<1x1x256x256xbf16>
    %get3A_10 = vector.shape_cast %get3A_9 : vector<1x1x256x256xbf16> to vector<256x256xbf16>
    %get3A_11 = arith.constant 0 : index
    %get3A_12 = arith.constant 2 : index
    %get3A_13 = arith.constant 0 : index
    %get3A_14 = arith.constant 0 : index
    %get3A_15 = vector.load %arg3[%get3A_11, %get3A_12, %get3A_13, %get3A_14] : memref<1x16x256x256xbf16, #tpu.memory_space<vmem>>, vector<1x1x256x256xbf16>
    %get3A_16 = vector.shape_cast %get3A_15 : vector<1x1x256x256xbf16> to vector<256x256xbf16>
    %get3A_17 = arith.constant 0 : index
    %get3A_18 = arith.constant 3 : index
    %get3A_19 = arith.constant 0 : index
    %get3A_20 = arith.constant 0 : index
    %get3A_21 = vector.load %arg3[%get3A_17, %get3A_18, %get3A_19, %get3A_20] : memref<1x16x256x256xbf16, #tpu.memory_space<vmem>>, vector<1x1x256x256xbf16>
    %get3A_22 = vector.shape_cast %get3A_21 : vector<1x1x256x256xbf16> to vector<256x256xbf16>
    %get3A_23 = arith.constant 0 : index
    %get3A_24 = arith.constant 4 : index
    %get3A_25 = arith.constant 0 : index
    %get3A_26 = arith.constant 0 : index
    %get3A_27 = vector.load %arg3[%get3A_23, %get3A_24, %get3A_25, %get3A_26] : memref<1x16x256x256xbf16, #tpu.memory_space<vmem>>, vector<1x1x256x256xbf16>
    %get3A_28 = vector.shape_cast %get3A_27 : vector<1x1x256x256xbf16> to vector<256x256xbf16>
    %get3A_29 = arith.constant 0 : index
    %get3A_30 = arith.constant 5 : index
    %get3A_31 = arith.constant 0 : index
    %get3A_32 = arith.constant 0 : index
    %get3A_33 = vector.load %arg3[%get3A_29, %get3A_30, %get3A_31, %get3A_32] : memref<1x16x256x256xbf16, #tpu.memory_space<vmem>>, vector<1x1x256x256xbf16>
    %get3A_34 = vector.shape_cast %get3A_33 : vector<1x1x256x256xbf16> to vector<256x256xbf16>
    %get3A_35 = arith.constant 0 : index
    %get3A_36 = arith.constant 6 : index
    %get3A_37 = arith.constant 0 : index
    %get3A_38 = arith.constant 0 : index
    %get3A_39 = vector.load %arg3[%get3A_35, %get3A_36, %get3A_37, %get3A_38] : memref<1x16x256x256xbf16, #tpu.memory_space<vmem>>, vector<1x1x256x256xbf16>
    %get3A_40 = vector.shape_cast %get3A_39 : vector<1x1x256x256xbf16> to vector<256x256xbf16>
    %get3A_41 = arith.constant 0 : index
    %get3A_42 = arith.constant 7 : index
    %get3A_43 = arith.constant 0 : index
    %get3A_44 = arith.constant 0 : index
    %get3A_45 = vector.load %arg3[%get3A_41, %get3A_42, %get3A_43, %get3A_44] : memref<1x16x256x256xbf16, #tpu.memory_space<vmem>>, vector<1x1x256x256xbf16>
    %get3A_46 = vector.shape_cast %get3A_45 : vector<1x1x256x256xbf16> to vector<256x256xbf16>
    %concatenate3A = tpu.concatenate %get3A_4, %get3A_10, %get3A_16, %get3A_22, %get3A_28, %get3A_34, %get3A_40, %get3A_46 in 0 : vector<256x256xbf16>, vector<256x256xbf16>, vector<256x256xbf16>, vector<256x256xbf16>, vector<256x256xbf16>, vector<256x256xbf16>, vector<256x256xbf16>, vector<256x256xbf16> -> vector<2048x256xbf16>
    %get3A_47 = arith.constant 0 : index
    %get3A_48 = arith.constant 0 : index
    %get3A_49 = vector.load %arg5[%get3A_47, %get3A_48] : memref<1280x512xbf16, #tpu.memory_space<vmem>>, vector<256x512xbf16>
    %dot_general3A = arith.constant dense<0.000000e+00> : vector<2048x512xf32>
    %dot_general3A_50 = tpu.matmul %concatenate3A, %get3A_49, %dot_general3A {dimension_numbers = #tpu.dot_dimension_numbers<[1], [0], [0], [1], [0, 0, 1, 1], [], []>, transpose_lhs_hint = false} : vector<2048x256xbf16>, vector<256x512xbf16>, vector<2048x512xf32> -> vector<2048x512xf32>
    %get3A_51 = arith.index_cast %arg0 : i32 to index
    %get3A_52 = arith.constant 0 : index
    %get3A_53 = arith.constant 0 : index
    %get3A_54 = memref.load %arg2[%get3A_51, %get3A_52, %get3A_53] : memref<4x16x4xi32, #tpu.memory_space<smem>>
    %get3A_55 = arith.constant 0 : index
    %get3A_56 = arith.index_cast %get3A_54 : i32 to index
    %get3A_57 = arith.constant 0 : index
    %get3A_58 = arith.constant 0 : index
    %get3A_59 = vector.load %arg3[%get3A_55, %get3A_56, %get3A_57, %get3A_58] : memref<1x16x256x256xbf16, #tpu.memory_space<vmem>>, vector<1x1x256x256xbf16>
    %get3A_60 = vector.shape_cast %get3A_59 : vector<1x1x256x256xbf16> to vector<256x256xbf16>
    %get3A_61 = arith.index_cast %arg0 : i32 to index
    %get3A_62 = arith.constant 1 : index
    %get3A_63 = arith.constant 0 : index
    %get3A_64 = memref.load %arg2[%get3A_61, %get3A_62, %get3A_63] : memref<4x16x4xi32, #tpu.memory_space<smem>>
    %get3A_65 = arith.constant 0 : index
    %get3A_66 = arith.index_cast %get3A_64 : i32 to index
    %get3A_67 = arith.constant 0 : index
    %get3A_68 = arith.constant 0 : index
    %get3A_69 = vector.load %arg3[%get3A_65, %get3A_66, %get3A_67, %get3A_68] : memref<1x16x256x256xbf16, #tpu.memory_space<vmem>>, vector<1x1x256x256xbf16>
    %get3A_70 = vector.shape_cast %get3A_69 : vector<1x1x256x256xbf16> to vector<256x256xbf16>
    %get3A_71 = arith.index_cast %arg0 : i32 to index
    %get3A_72 = arith.constant 2 : index
    %get3A_73 = arith.constant 0 : index
    %get3A_74 = memref.load %arg2[%get3A_71, %get3A_72, %get3A_73] : memref<4x16x4xi32, #tpu.memory_space<smem>>
    %get3A_75 = arith.constant 0 : index
    %get3A_76 = arith.index_cast %get3A_74 : i32 to index
    %get3A_77 = arith.constant 0 : index
    %get3A_78 = arith.constant 0 : index
    %get3A_79 = vector.load %arg3[%get3A_75, %get3A_76, %get3A_77, %get3A_78] : memref<1x16x256x256xbf16, #tpu.memory_space<vmem>>, vector<1x1x256x256xbf16>
    %get3A_80 = vector.shape_cast %get3A_79 : vector<1x1x256x256xbf16> to vector<256x256xbf16>
    %get3A_81 = arith.index_cast %arg0 : i32 to index
    %get3A_82 = arith.constant 3 : index
    %get3A_83 = arith.constant 0 : index
    %get3A_84 = memref.load %arg2[%get3A_81, %get3A_82, %get3A_83] : memref<4x16x4xi32, #tpu.memory_space<smem>>
    %get3A_85 = arith.constant 0 : index
    %get3A_86 = arith.index_cast %get3A_84 : i32 to index
    %get3A_87 = arith.constant 0 : index
    %get3A_88 = arith.constant 0 : index
    %get3A_89 = vector.load %arg3[%get3A_85, %get3A_86, %get3A_87, %get3A_88] : memref<1x16x256x256xbf16, #tpu.memory_space<vmem>>, vector<1x1x256x256xbf16>
    %get3A_90 = vector.shape_cast %get3A_89 : vector<1x1x256x256xbf16> to vector<256x256xbf16>
    %get3A_91 = arith.index_cast %arg0 : i32 to index
    %get3A_92 = arith.constant 4 : index
    %get3A_93 = arith.constant 0 : index
    %get3A_94 = memref.load %arg2[%get3A_91, %get3A_92, %get3A_93] : memref<4x16x4xi32, #tpu.memory_space<smem>>
    %get3A_95 = arith.constant 0 : index
    %get3A_96 = arith.index_cast %get3A_94 : i32 to index
    %get3A_97 = arith.constant 0 : index
    %get3A_98 = arith.constant 0 : index
    %get3A_99 = vector.load %arg3[%get3A_95, %get3A_96, %get3A_97, %get3A_98] : memref<1x16x256x256xbf16, #tpu.memory_space<vmem>>, vector<1x1x256x256xbf16>
    %get3A_100 = vector.shape_cast %get3A_99 : vector<1x1x256x256xbf16> to vector<256x256xbf16>
    %get3A_101 = arith.index_cast %arg0 : i32 to index
    %get3A_102 = arith.constant 5 : index
    %get3A_103 = arith.constant 0 : index
    %get3A_104 = memref.load %arg2[%get3A_101, %get3A_102, %get3A_103] : memref<4x16x4xi32, #tpu.memory_space<smem>>
    %get3A_105 = arith.constant 0 : index
    %get3A_106 = arith.index_cast %get3A_104 : i32 to index
    %get3A_107 = arith.constant 0 : index
    %get3A_108 = arith.constant 0 : index
    %get3A_109 = vector.load %arg3[%get3A_105, %get3A_106, %get3A_107, %get3A_108] : memref<1x16x256x256xbf16, #tpu.memory_space<vmem>>, vector<1x1x256x256xbf16>
    %get3A_110 = vector.shape_cast %get3A_109 : vector<1x1x256x256xbf16> to vector<256x256xbf16>
    %get3A_111 = arith.index_cast %arg0 : i32 to index
    %get3A_112 = arith.constant 6 : index
    %get3A_113 = arith.constant 0 : index
    %get3A_114 = memref.load %arg2[%get3A_111, %get3A_112, %get3A_113] : memref<4x16x4xi32, #tpu.memory_space<smem>>
    %get3A_115 = arith.constant 0 : index
    %get3A_116 = arith.index_cast %get3A_114 : i32 to index
    %get3A_117 = arith.constant 0 : index
    %get3A_118 = arith.constant 0 : index
    %get3A_119 = vector.load %arg3[%get3A_115, %get3A_116, %get3A_117, %get3A_118] : memref<1x16x256x256xbf16, #tpu.memory_space<vmem>>, vector<1x1x256x256xbf16>
    %get3A_120 = vector.shape_cast %get3A_119 : vector<1x1x256x256xbf16> to vector<256x256xbf16>
    %get3A_121 = arith.index_cast %arg0 : i32 to index
    %get3A_122 = arith.constant 7 : index
    %get3A_123 = arith.constant 0 : index
    %get3A_124 = memref.load %arg2[%get3A_121, %get3A_122, %get3A_123] : memref<4x16x4xi32, #tpu.memory_space<smem>>
    %get3A_125 = arith.constant 0 : index
    %get3A_126 = arith.index_cast %get3A_124 : i32 to index
    %get3A_127 = arith.constant 0 : index
    %get3A_128 = arith.constant 0 : index
    %get3A_129 = vector.load %arg3[%get3A_125, %get3A_126, %get3A_127, %get3A_128] : memref<1x16x256x256xbf16, #tpu.memory_space<vmem>>, vector<1x1x256x256xbf16>
    %get3A_130 = vector.shape_cast %get3A_129 : vector<1x1x256x256xbf16> to vector<256x256xbf16>
    %concatenate3A_131 = tpu.concatenate %get3A_60, %get3A_70, %get3A_80, %get3A_90, %get3A_100, %get3A_110, %get3A_120, %get3A_130 in 0 : vector<256x256xbf16>, vector<256x256xbf16>, vector<256x256xbf16>, vector<256x256xbf16>, vector<256x256xbf16>, vector<256x256xbf16>, vector<256x256xbf16>, vector<256x256xbf16> -> vector<2048x256xbf16>
    %get3A_132 = arith.constant 256 : index
    %get3A_133 = arith.constant 0 : index
    %get3A_134 = vector.load %arg5[%get3A_132, %get3A_133] : memref<1280x512xbf16, #tpu.memory_space<vmem>>, vector<256x512xbf16>
    %dot_general3A_135 = arith.constant dense<0.000000e+00> : vector<2048x512xf32>
    %dot_general3A_136 = tpu.matmul %concatenate3A_131, %get3A_134, %dot_general3A_135 {dimension_numbers = #tpu.dot_dimension_numbers<[1], [0], [0], [1], [0, 0, 1, 1], [], []>, transpose_lhs_hint = false} : vector<2048x256xbf16>, vector<256x512xbf16>, vector<2048x512xf32> -> vector<2048x512xf32>
    %add3A = arith.addf %dot_general3A_50, %dot_general3A_136 : vector<2048x512xf32>
    %get3A_137 = arith.index_cast %arg0 : i32 to index
    %get3A_138 = arith.constant 0 : index
    %get3A_139 = arith.constant 1 : index
    %get3A_140 = memref.load %arg2[%get3A_137, %get3A_138, %get3A_139] : memref<4x16x4xi32, #tpu.memory_space<smem>>
    %get3A_141 = arith.constant 0 : index
    %get3A_142 = arith.index_cast %get3A_140 : i32 to index
    %get3A_143 = arith.constant 0 : index
    %get3A_144 = arith.constant 0 : index
    %get3A_145 = vector.load %arg3[%get3A_141, %get3A_142, %get3A_143, %get3A_144] : memref<1x16x256x256xbf16, #tpu.memory_space<vmem>>, vector<1x1x256x256xbf16>
    %get3A_146 = vector.shape_cast %get3A_145 : vector<1x1x256x256xbf16> to vector<256x256xbf16>
    %get3A_147 = arith.index_cast %arg0 : i32 to index
    %get3A_148 = arith.constant 1 : index
    %get3A_149 = arith.constant 1 : index
    %get3A_150 = memref.load %arg2[%get3A_147, %get3A_148, %get3A_149] : memref<4x16x4xi32, #tpu.memory_space<smem>>
    %get3A_151 = arith.constant 0 : index
    %get3A_152 = arith.index_cast %get3A_150 : i32 to index
    %get3A_153 = arith.constant 0 : index
    %get3A_154 = arith.constant 0 : index
    %get3A_155 = vector.load %arg3[%get3A_151, %get3A_152, %get3A_153, %get3A_154] : memref<1x16x256x256xbf16, #tpu.memory_space<vmem>>, vector<1x1x256x256xbf16>
    %get3A_156 = vector.shape_cast %get3A_155 : vector<1x1x256x256xbf16> to vector<256x256xbf16>
    %get3A_157 = arith.index_cast %arg0 : i32 to index
    %get3A_158 = arith.constant 2 : index
    %get3A_159 = arith.constant 1 : index
    %get3A_160 = memref.load %arg2[%get3A_157, %get3A_158, %get3A_159] : memref<4x16x4xi32, #tpu.memory_space<smem>>
    %get3A_161 = arith.constant 0 : index
    %get3A_162 = arith.index_cast %get3A_160 : i32 to index
    %get3A_163 = arith.constant 0 : index
    %get3A_164 = arith.constant 0 : index
    %get3A_165 = vector.load %arg3[%get3A_161, %get3A_162, %get3A_163, %get3A_164] : memref<1x16x256x256xbf16, #tpu.memory_space<vmem>>, vector<1x1x256x256xbf16>
    %get3A_166 = vector.shape_cast %get3A_165 : vector<1x1x256x256xbf16> to vector<256x256xbf16>
    %get3A_167 = arith.index_cast %arg0 : i32 to index
    %get3A_168 = arith.constant 3 : index
    %get3A_169 = arith.constant 1 : index
    %get3A_170 = memref.load %arg2[%get3A_167, %get3A_168, %get3A_169] : memref<4x16x4xi32, #tpu.memory_space<smem>>
    %get3A_171 = arith.constant 0 : index
    %get3A_172 = arith.index_cast %get3A_170 : i32 to index
    %get3A_173 = arith.constant 0 : index
    %get3A_174 = arith.constant 0 : index
    %get3A_175 = vector.load %arg3[%get3A_171, %get3A_172, %get3A_173, %get3A_174] : memref<1x16x256x256xbf16, #tpu.memory_space<vmem>>, vector<1x1x256x256xbf16>
    %get3A_176 = vector.shape_cast %get3A_175 : vector<1x1x256x256xbf16> to vector<256x256xbf16>
    %get3A_177 = arith.index_cast %arg0 : i32 to index
    %get3A_178 = arith.constant 4 : index
    %get3A_179 = arith.constant 1 : index
    %get3A_180 = memref.load %arg2[%get3A_177, %get3A_178, %get3A_179] : memref<4x16x4xi32, #tpu.memory_space<smem>>
    %get3A_181 = arith.constant 0 : index
    %get3A_182 = arith.index_cast %get3A_180 : i32 to index
    %get3A_183 = arith.constant 0 : index
    %get3A_184 = arith.constant 0 : index
    %get3A_185 = vector.load %arg3[%get3A_181, %get3A_182, %get3A_183, %get3A_184] : memref<1x16x256x256xbf16, #tpu.memory_space<vmem>>, vector<1x1x256x256xbf16>
    %get3A_186 = vector.shape_cast %get3A_185 : vector<1x1x256x256xbf16> to vector<256x256xbf16>
    %get3A_187 = arith.index_cast %arg0 : i32 to index
    %get3A_188 = arith.constant 5 : index
    %get3A_189 = arith.constant 1 : index
    %get3A_190 = memref.load %arg2[%get3A_187, %get3A_188, %get3A_189] : memref<4x16x4xi32, #tpu.memory_space<smem>>
    %get3A_191 = arith.constant 0 : index
    %get3A_192 = arith.index_cast %get3A_190 : i32 to index
    %get3A_193 = arith.constant 0 : index
    %get3A_194 = arith.constant 0 : index
    %get3A_195 = vector.load %arg3[%get3A_191, %get3A_192, %get3A_193, %get3A_194] : memref<1x16x256x256xbf16, #tpu.memory_space<vmem>>, vector<1x1x256x256xbf16>
    %get3A_196 = vector.shape_cast %get3A_195 : vector<1x1x256x256xbf16> to vector<256x256xbf16>
    %get3A_197 = arith.index_cast %arg0 : i32 to index
    %get3A_198 = arith.constant 6 : index
    %get3A_199 = arith.constant 1 : index
    %get3A_200 = memref.load %arg2[%get3A_197, %get3A_198, %get3A_199] : memref<4x16x4xi32, #tpu.memory_space<smem>>
    %get3A_201 = arith.constant 0 : index
    %get3A_202 = arith.index_cast %get3A_200 : i32 to index
    %get3A_203 = arith.constant 0 : index
    %get3A_204 = arith.constant 0 : index
    %get3A_205 = vector.load %arg3[%get3A_201, %get3A_202, %get3A_203, %get3A_204] : memref<1x16x256x256xbf16, #tpu.memory_space<vmem>>, vector<1x1x256x256xbf16>
    %get3A_206 = vector.shape_cast %get3A_205 : vector<1x1x256x256xbf16> to vector<256x256xbf16>
    %get3A_207 = arith.index_cast %arg0 : i32 to index
    %get3A_208 = arith.constant 7 : index
    %get3A_209 = arith.constant 1 : index
    %get3A_210 = memref.load %arg2[%get3A_207, %get3A_208, %get3A_209] : memref<4x16x4xi32, #tpu.memory_space<smem>>
    %get3A_211 = arith.constant 0 : index
    %get3A_212 = arith.index_cast %get3A_210 : i32 to index
    %get3A_213 = arith.constant 0 : index
    %get3A_214 = arith.constant 0 : index
    %get3A_215 = vector.load %arg3[%get3A_211, %get3A_212, %get3A_213, %get3A_214] : memref<1x16x256x256xbf16, #tpu.memory_space<vmem>>, vector<1x1x256x256xbf16>
    %get3A_216 = vector.shape_cast %get3A_215 : vector<1x1x256x256xbf16> to vector<256x256xbf16>
    %concatenate3A_217 = tpu.concatenate %get3A_146, %get3A_156, %get3A_166, %get3A_176, %get3A_186, %get3A_196, %get3A_206, %get3A_216 in 0 : vector<256x256xbf16>, vector<256x256xbf16>, vector<256x256xbf16>, vector<256x256xbf16>, vector<256x256xbf16>, vector<256x256xbf16>, vector<256x256xbf16>, vector<256x256xbf16> -> vector<2048x256xbf16>
    %get3A_218 = arith.constant 512 : index
    %get3A_219 = arith.constant 0 : index
    %get3A_220 = vector.load %arg5[%get3A_218, %get3A_219] : memref<1280x512xbf16, #tpu.memory_space<vmem>>, vector<256x512xbf16>
    %dot_general3A_221 = arith.constant dense<0.000000e+00> : vector<2048x512xf32>
    %dot_general3A_222 = tpu.matmul %concatenate3A_217, %get3A_220, %dot_general3A_221 {dimension_numbers = #tpu.dot_dimension_numbers<[1], [0], [0], [1], [0, 0, 1, 1], [], []>, transpose_lhs_hint = false} : vector<2048x256xbf16>, vector<256x512xbf16>, vector<2048x512xf32> -> vector<2048x512xf32>
    %add3A_223 = arith.addf %add3A, %dot_general3A_222 : vector<2048x512xf32>
    %get3A_224 = arith.index_cast %arg0 : i32 to index
    %get3A_225 = arith.constant 0 : index
    %get3A_226 = arith.constant 2 : index
    %get3A_227 = memref.load %arg2[%get3A_224, %get3A_225, %get3A_226] : memref<4x16x4xi32, #tpu.memory_space<smem>>
    %get3A_228 = arith.constant 0 : index
    %get3A_229 = arith.index_cast %get3A_227 : i32 to index
    %get3A_230 = arith.constant 0 : index
    %get3A_231 = arith.constant 0 : index
    %get3A_232 = vector.load %arg3[%get3A_228, %get3A_229, %get3A_230, %get3A_231] : memref<1x16x256x256xbf16, #tpu.memory_space<vmem>>, vector<1x1x256x256xbf16>
    %get3A_233 = vector.shape_cast %get3A_232 : vector<1x1x256x256xbf16> to vector<256x256xbf16>
    %get3A_234 = arith.index_cast %arg0 : i32 to index
    %get3A_235 = arith.constant 1 : index
    %get3A_236 = arith.constant 2 : index
    %get3A_237 = memref.load %arg2[%get3A_234, %get3A_235, %get3A_236] : memref<4x16x4xi32, #tpu.memory_space<smem>>
    %get3A_238 = arith.constant 0 : index
    %get3A_239 = arith.index_cast %get3A_237 : i32 to index
    %get3A_240 = arith.constant 0 : index
    %get3A_241 = arith.constant 0 : index
    %get3A_242 = vector.load %arg3[%get3A_238, %get3A_239, %get3A_240, %get3A_241] : memref<1x16x256x256xbf16, #tpu.memory_space<vmem>>, vector<1x1x256x256xbf16>
    %get3A_243 = vector.shape_cast %get3A_242 : vector<1x1x256x256xbf16> to vector<256x256xbf16>
    %get3A_244 = arith.index_cast %arg0 : i32 to index
    %get3A_245 = arith.constant 2 : index
    %get3A_246 = arith.constant 2 : index
    %get3A_247 = memref.load %arg2[%get3A_244, %get3A_245, %get3A_246] : memref<4x16x4xi32, #tpu.memory_space<smem>>
    %get3A_248 = arith.constant 0 : index
    %get3A_249 = arith.index_cast %get3A_247 : i32 to index
    %get3A_250 = arith.constant 0 : index
    %get3A_251 = arith.constant 0 : index
    %get3A_252 = vector.load %arg3[%get3A_248, %get3A_249, %get3A_250, %get3A_251] : memref<1x16x256x256xbf16, #tpu.memory_space<vmem>>, vector<1x1x256x256xbf16>
    %get3A_253 = vector.shape_cast %get3A_252 : vector<1x1x256x256xbf16> to vector<256x256xbf16>
    %get3A_254 = arith.index_cast %arg0 : i32 to index
    %get3A_255 = arith.constant 3 : index
    %get3A_256 = arith.constant 2 : index
    %get3A_257 = memref.load %arg2[%get3A_254, %get3A_255, %get3A_256] : memref<4x16x4xi32, #tpu.memory_space<smem>>
    %get3A_258 = arith.constant 0 : index
    %get3A_259 = arith.index_cast %get3A_257 : i32 to index
    %get3A_260 = arith.constant 0 : index
    %get3A_261 = arith.constant 0 : index
    %get3A_262 = vector.load %arg3[%get3A_258, %get3A_259, %get3A_260, %get3A_261] : memref<1x16x256x256xbf16, #tpu.memory_space<vmem>>, vector<1x1x256x256xbf16>
    %get3A_263 = vector.shape_cast %get3A_262 : vector<1x1x256x256xbf16> to vector<256x256xbf16>
    %get3A_264 = arith.index_cast %arg0 : i32 to index
    %get3A_265 = arith.constant 4 : index
    %get3A_266 = arith.constant 2 : index
    %get3A_267 = memref.load %arg2[%get3A_264, %get3A_265, %get3A_266] : memref<4x16x4xi32, #tpu.memory_space<smem>>
    %get3A_268 = arith.constant 0 : index
    %get3A_269 = arith.index_cast %get3A_267 : i32 to index
    %get3A_270 = arith.constant 0 : index
    %get3A_271 = arith.constant 0 : index
    %get3A_272 = vector.load %arg3[%get3A_268, %get3A_269, %get3A_270, %get3A_271] : memref<1x16x256x256xbf16, #tpu.memory_space<vmem>>, vector<1x1x256x256xbf16>
    %get3A_273 = vector.shape_cast %get3A_272 : vector<1x1x256x256xbf16> to vector<256x256xbf16>
    %get3A_274 = arith.index_cast %arg0 : i32 to index
    %get3A_275 = arith.constant 5 : index
    %get3A_276 = arith.constant 2 : index
    %get3A_277 = memref.load %arg2[%get3A_274, %get3A_275, %get3A_276] : memref<4x16x4xi32, #tpu.memory_space<smem>>
    %get3A_278 = arith.constant 0 : index
    %get3A_279 = arith.index_cast %get3A_277 : i32 to index
    %get3A_280 = arith.constant 0 : index
    %get3A_281 = arith.constant 0 : index
    %get3A_282 = vector.load %arg3[%get3A_278, %get3A_279, %get3A_280, %get3A_281] : memref<1x16x256x256xbf16, #tpu.memory_space<vmem>>, vector<1x1x256x256xbf16>
    %get3A_283 = vector.shape_cast %get3A_282 : vector<1x1x256x256xbf16> to vector<256x256xbf16>
    %get3A_284 = arith.index_cast %arg0 : i32 to index
    %get3A_285 = arith.constant 6 : index
    %get3A_286 = arith.constant 2 : index
    %get3A_287 = memref.load %arg2[%get3A_284, %get3A_285, %get3A_286] : memref<4x16x4xi32, #tpu.memory_space<smem>>
    %get3A_288 = arith.constant 0 : index
    %get3A_289 = arith.index_cast %get3A_287 : i32 to index
    %get3A_290 = arith.constant 0 : index
    %get3A_291 = arith.constant 0 : index
    %get3A_292 = vector.load %arg3[%get3A_288, %get3A_289, %get3A_290, %get3A_291] : memref<1x16x256x256xbf16, #tpu.memory_space<vmem>>, vector<1x1x256x256xbf16>
    %get3A_293 = vector.shape_cast %get3A_292 : vector<1x1x256x256xbf16> to vector<256x256xbf16>
    %get3A_294 = arith.index_cast %arg0 : i32 to index
    %get3A_295 = arith.constant 7 : index
    %get3A_296 = arith.constant 2 : index
    %get3A_297 = memref.load %arg2[%get3A_294, %get3A_295, %get3A_296] : memref<4x16x4xi32, #tpu.memory_space<smem>>
    %get3A_298 = arith.constant 0 : index
    %get3A_299 = arith.index_cast %get3A_297 : i32 to index
    %get3A_300 = arith.constant 0 : index
    %get3A_301 = arith.constant 0 : index
    %get3A_302 = vector.load %arg3[%get3A_298, %get3A_299, %get3A_300, %get3A_301] : memref<1x16x256x256xbf16, #tpu.memory_space<vmem>>, vector<1x1x256x256xbf16>
    %get3A_303 = vector.shape_cast %get3A_302 : vector<1x1x256x256xbf16> to vector<256x256xbf16>
    %concatenate3A_304 = tpu.concatenate %get3A_233, %get3A_243, %get3A_253, %get3A_263, %get3A_273, %get3A_283, %get3A_293, %get3A_303 in 0 : vector<256x256xbf16>, vector<256x256xbf16>, vector<256x256xbf16>, vector<256x256xbf16>, vector<256x256xbf16>, vector<256x256xbf16>, vector<256x256xbf16>, vector<256x256xbf16> -> vector<2048x256xbf16>
    %get3A_305 = arith.constant 768 : index
    %get3A_306 = arith.constant 0 : index
    %get3A_307 = vector.load %arg5[%get3A_305, %get3A_306] : memref<1280x512xbf16, #tpu.memory_space<vmem>>, vector<256x512xbf16>
    %dot_general3A_308 = arith.constant dense<0.000000e+00> : vector<2048x512xf32>
    %dot_general3A_309 = tpu.matmul %concatenate3A_304, %get3A_307, %dot_general3A_308 {dimension_numbers = #tpu.dot_dimension_numbers<[1], [0], [0], [1], [0, 0, 1, 1], [], []>, transpose_lhs_hint = false} : vector<2048x256xbf16>, vector<256x512xbf16>, vector<2048x512xf32> -> vector<2048x512xf32>
    %add3A_310 = arith.addf %add3A_223, %dot_general3A_309 : vector<2048x512xf32>
    %get3A_311 = arith.index_cast %arg0 : i32 to index
    %get3A_312 = arith.constant 0 : index
    %get3A_313 = arith.constant 3 : index
    %get3A_314 = memref.load %arg2[%get3A_311, %get3A_312, %get3A_313] : memref<4x16x4xi32, #tpu.memory_space<smem>>
    %get3A_315 = arith.constant 0 : index
    %get3A_316 = arith.index_cast %get3A_314 : i32 to index
    %get3A_317 = arith.constant 0 : index
    %get3A_318 = arith.constant 0 : index
    %get3A_319 = vector.load %arg3[%get3A_315, %get3A_316, %get3A_317, %get3A_318] : memref<1x16x256x256xbf16, #tpu.memory_space<vmem>>, vector<1x1x256x256xbf16>
    %get3A_320 = vector.shape_cast %get3A_319 : vector<1x1x256x256xbf16> to vector<256x256xbf16>
    %get3A_321 = arith.index_cast %arg0 : i32 to index
    %get3A_322 = arith.constant 1 : index
    %get3A_323 = arith.constant 3 : index
    %get3A_324 = memref.load %arg2[%get3A_321, %get3A_322, %get3A_323] : memref<4x16x4xi32, #tpu.memory_space<smem>>
    %get3A_325 = arith.constant 0 : index
    %get3A_326 = arith.index_cast %get3A_324 : i32 to index
    %get3A_327 = arith.constant 0 : index
    %get3A_328 = arith.constant 0 : index
    %get3A_329 = vector.load %arg3[%get3A_325, %get3A_326, %get3A_327, %get3A_328] : memref<1x16x256x256xbf16, #tpu.memory_space<vmem>>, vector<1x1x256x256xbf16>
    %get3A_330 = vector.shape_cast %get3A_329 : vector<1x1x256x256xbf16> to vector<256x256xbf16>
    %get3A_331 = arith.index_cast %arg0 : i32 to index
    %get3A_332 = arith.constant 2 : index
    %get3A_333 = arith.constant 3 : index
    %get3A_334 = memref.load %arg2[%get3A_331, %get3A_332, %get3A_333] : memref<4x16x4xi32, #tpu.memory_space<smem>>
    %get3A_335 = arith.constant 0 : index
    %get3A_336 = arith.index_cast %get3A_334 : i32 to index
    %get3A_337 = arith.constant 0 : index
    %get3A_338 = arith.constant 0 : index
    %get3A_339 = vector.load %arg3[%get3A_335, %get3A_336, %get3A_337, %get3A_338] : memref<1x16x256x256xbf16, #tpu.memory_space<vmem>>, vector<1x1x256x256xbf16>
    %get3A_340 = vector.shape_cast %get3A_339 : vector<1x1x256x256xbf16> to vector<256x256xbf16>
    %get3A_341 = arith.index_cast %arg0 : i32 to index
    %get3A_342 = arith.constant 3 : index
    %get3A_343 = arith.constant 3 : index
    %get3A_344 = memref.load %arg2[%get3A_341, %get3A_342, %get3A_343] : memref<4x16x4xi32, #tpu.memory_space<smem>>
    %get3A_345 = arith.constant 0 : index
    %get3A_346 = arith.index_cast %get3A_344 : i32 to index
    %get3A_347 = arith.constant 0 : index
    %get3A_348 = arith.constant 0 : index
    %get3A_349 = vector.load %arg3[%get3A_345, %get3A_346, %get3A_347, %get3A_348] : memref<1x16x256x256xbf16, #tpu.memory_space<vmem>>, vector<1x1x256x256xbf16>
    %get3A_350 = vector.shape_cast %get3A_349 : vector<1x1x256x256xbf16> to vector<256x256xbf16>
    %get3A_351 = arith.index_cast %arg0 : i32 to index
    %get3A_352 = arith.constant 4 : index
    %get3A_353 = arith.constant 3 : index
    %get3A_354 = memref.load %arg2[%get3A_351, %get3A_352, %get3A_353] : memref<4x16x4xi32, #tpu.memory_space<smem>>
    %get3A_355 = arith.constant 0 : index
    %get3A_356 = arith.index_cast %get3A_354 : i32 to index
    %get3A_357 = arith.constant 0 : index
    %get3A_358 = arith.constant 0 : index
    %get3A_359 = vector.load %arg3[%get3A_355, %get3A_356, %get3A_357, %get3A_358] : memref<1x16x256x256xbf16, #tpu.memory_space<vmem>>, vector<1x1x256x256xbf16>
    %get3A_360 = vector.shape_cast %get3A_359 : vector<1x1x256x256xbf16> to vector<256x256xbf16>
    %get3A_361 = arith.index_cast %arg0 : i32 to index
    %get3A_362 = arith.constant 5 : index
    %get3A_363 = arith.constant 3 : index
    %get3A_364 = memref.load %arg2[%get3A_361, %get3A_362, %get3A_363] : memref<4x16x4xi32, #tpu.memory_space<smem>>
    %get3A_365 = arith.constant 0 : index
    %get3A_366 = arith.index_cast %get3A_364 : i32 to index
    %get3A_367 = arith.constant 0 : index
    %get3A_368 = arith.constant 0 : index
    %get3A_369 = vector.load %arg3[%get3A_365, %get3A_366, %get3A_367, %get3A_368] : memref<1x16x256x256xbf16, #tpu.memory_space<vmem>>, vector<1x1x256x256xbf16>
    %get3A_370 = vector.shape_cast %get3A_369 : vector<1x1x256x256xbf16> to vector<256x256xbf16>
    %get3A_371 = arith.index_cast %arg0 : i32 to index
    %get3A_372 = arith.constant 6 : index
    %get3A_373 = arith.constant 3 : index
    %get3A_374 = memref.load %arg2[%get3A_371, %get3A_372, %get3A_373] : memref<4x16x4xi32, #tpu.memory_space<smem>>
    %get3A_375 = arith.constant 0 : index
    %get3A_376 = arith.index_cast %get3A_374 : i32 to index
    %get3A_377 = arith.constant 0 : index
    %get3A_378 = arith.constant 0 : index
    %get3A_379 = vector.load %arg3[%get3A_375, %get3A_376, %get3A_377, %get3A_378] : memref<1x16x256x256xbf16, #tpu.memory_space<vmem>>, vector<1x1x256x256xbf16>
    %get3A_380 = vector.shape_cast %get3A_379 : vector<1x1x256x256xbf16> to vector<256x256xbf16>
    %get3A_381 = arith.index_cast %arg0 : i32 to index
    %get3A_382 = arith.constant 7 : index
    %get3A_383 = arith.constant 3 : index
    %get3A_384 = memref.load %arg2[%get3A_381, %get3A_382, %get3A_383] : memref<4x16x4xi32, #tpu.memory_space<smem>>
    %get3A_385 = arith.constant 0 : index
    %get3A_386 = arith.index_cast %get3A_384 : i32 to index
    %get3A_387 = arith.constant 0 : index
    %get3A_388 = arith.constant 0 : index
    %get3A_389 = vector.load %arg3[%get3A_385, %get3A_386, %get3A_387, %get3A_388] : memref<1x16x256x256xbf16, #tpu.memory_space<vmem>>, vector<1x1x256x256xbf16>
    %get3A_390 = vector.shape_cast %get3A_389 : vector<1x1x256x256xbf16> to vector<256x256xbf16>
    %concatenate3A_391 = tpu.concatenate %get3A_320, %get3A_330, %get3A_340, %get3A_350, %get3A_360, %get3A_370, %get3A_380, %get3A_390 in 0 : vector<256x256xbf16>, vector<256x256xbf16>, vector<256x256xbf16>, vector<256x256xbf16>, vector<256x256xbf16>, vector<256x256xbf16>, vector<256x256xbf16>, vector<256x256xbf16> -> vector<2048x256xbf16>
    %get3A_392 = arith.constant 1024 : index
    %get3A_393 = arith.constant 0 : index
    %get3A_394 = vector.load %arg5[%get3A_392, %get3A_393] : memref<1280x512xbf16, #tpu.memory_space<vmem>>, vector<256x512xbf16>
    %dot_general3A_395 = arith.constant dense<0.000000e+00> : vector<2048x512xf32>
    %dot_general3A_396 = tpu.matmul %concatenate3A_391, %get3A_394, %dot_general3A_395 {dimension_numbers = #tpu.dot_dimension_numbers<[1], [0], [0], [1], [0, 0, 1, 1], [], []>, transpose_lhs_hint = false} : vector<2048x256xbf16>, vector<256x512xbf16>, vector<2048x512xf32> -> vector<2048x512xf32>
    %add3A_397 = arith.addf %add3A_310, %dot_general3A_396 : vector<2048x512xf32>
    %get3A_398 = arith.constant 0 : index
    %get3A_399 = arith.constant 0 : index
    %get3A_400 = vector.load %arg6[%get3A_398, %get3A_399] : memref<1x512xf32, #tpu.memory_space<vmem>>, vector<1x512xf32>
    %add3A_401 = vector.broadcast %get3A_400 : vector<1x512xf32> to vector<2048x512xf32>
    %add3A_402 = arith.addf %add3A_397, %add3A_401 : vector<2048x512xf32>
    %mul3A = arith.constant 0.707106769 : f32
    %mul3A_403 = vector.broadcast %mul3A : f32 to vector<2048x512xf32>
    %mul3A_404 = arith.mulf %add3A_402, %mul3A_403 : vector<2048x512xf32>
    %erf3A = math.erf %mul3A_404 : vector<2048x512xf32>
    %mul3A_405 = arith.mulf %add3A_402, %erf3A : vector<2048x512xf32>
    %add3A_406 = arith.addf %add3A_402, %mul3A_405 : vector<2048x512xf32>
    %convert_element_type3A = arith.truncf %add3A_406 : vector<2048x512xf32> to vector<2048x512xbf16>
    %get3A_407 = arith.constant 0 : index
    %get3A_408 = arith.constant 0 : index
    %get3A_409 = vector.load %arg7[%get3A_407, %get3A_408] : memref<512x256xbf16, #tpu.memory_space<vmem>>, vector<512x256xbf16>
    %dot_general3A_410 = arith.constant dense<0.000000e+00> : vector<2048x256xf32>
    %dot_general3A_411 = tpu.matmul %convert_element_type3A, %get3A_409, %dot_general3A_410 {dimension_numbers = #tpu.dot_dimension_numbers<[1], [0], [0], [1], [0, 0, 1, 1], [], []>, transpose_lhs_hint = false} : vector<2048x512xbf16>, vector<512x256xbf16>, vector<2048x256xf32> -> vector<2048x256xf32>
    %get3A_412 = arith.constant 0 : index
    %get3A_413 = arith.constant 0 : index
    %get3A_414 = vector.load %arg8[%get3A_412, %get3A_413] : memref<1x256xf32, #tpu.memory_space<vmem>>, vector<1x256xf32>
    %add3A_415 = vector.broadcast %get3A_414 : vector<1x256xf32> to vector<2048x256xf32>
    %add3A_416 = arith.addf %dot_general3A_411, %add3A_415 : vector<2048x256xf32>
    %slice3A = vector.extract_strided_slice %add3A_416 {offsets = [0, 0], sizes = [256, 256], strides = [1, 1]} : vector<2048x256xf32> to vector<256x256xf32>
    %get3A_417 = arith.constant 0 : index
    %get3A_418 = arith.constant 0 : index
    %get3A_419 = arith.constant 0 : index
    %get3A_420 = vector.load %arg4[%get3A_417, %get3A_418, %get3A_419] : memref<1x256x4096xf32, #tpu.memory_space<vmem>>, vector<1x256x256xf32>
    %get3A_421 = vector.shape_cast %get3A_420 : vector<1x256x256xf32> to vector<256x256xf32>
    %add3A_422 = arith.addf %slice3A, %get3A_421 : vector<256x256xf32>
    %swap3A = arith.constant 0 : index
    %swap3A_423 = arith.constant 0 : index
    %swap3A_424 = arith.constant 0 : index
    %swap3A_425 = vector.load %arg9[%swap3A, %swap3A_423, %swap3A_424] : memref<1x256x4096xf32, #tpu.memory_space<vmem>>, vector<1x256x256xf32>
    %swap3A_426 = vector.shape_cast %swap3A_425 : vector<1x256x256xf32> to vector<256x256xf32>
    %swap3A_427 = vector.shape_cast %add3A_422 : vector<256x256xf32> to vector<1x256x256xf32>
    tpu.vector_store %arg9[%swap3A, %swap3A_423, %swap3A_424], %swap3A_427 {strides = array<i32>} : memref<1x256x4096xf32, #tpu.memory_space<vmem>>, vector<1x256x256xf32>,
    %slice3A_428 = vector.extract_strided_slice %add3A_416 {offsets = [256, 0], sizes = [256, 256], strides = [1, 1]} : vector<2048x256xf32> to vector<256x256xf32>
    %get3A_429 = arith.constant 0 : index
    %get3A_430 = arith.constant 0 : index
    %get3A_431 = arith.constant 256 : index
    %get3A_432 = vector.load %arg4[%get3A_429, %get3A_430, %get3A_431] : memref<1x256x4096xf32, #tpu.memory_space<vmem>>, vector<1x256x256xf32>
    %get3A_433 = vector.shape_cast %get3A_432 : vector<1x256x256xf32> to vector<256x256xf32>
    %add3A_434 = arith.addf %slice3A_428, %get3A_433 : vector<256x256xf32>
    %swap3A_435 = arith.constant 0 : index
    %swap3A_436 = arith.constant 0 : index
    %swap3A_437 = arith.constant 256 : index
    %swap3A_438 = vector.load %arg9[%swap3A_435, %swap3A_436, %swap3A_437] : memref<1x256x4096xf32, #tpu.memory_space<vmem>>, vector<1x256x256xf32>
    %swap3A_439 = vector.shape_cast %swap3A_438 : vector<1x256x256xf32> to vector<256x256xf32>
    %swap3A_440 = vector.shape_cast %add3A_434 : vector<256x256xf32> to vector<1x256x256xf32>
    tpu.vector_store %arg9[%swap3A_435, %swap3A_436, %swap3A_437], %swap3A_440 {strides = array<i32>} : memref<1x256x4096xf32, #tpu.memory_space<vmem>>, vector<1x256x256xf32>,
    %slice3A_441 = vector.extract_strided_slice %add3A_416 {offsets = [512, 0], sizes = [256, 256], strides = [1, 1]} : vector<2048x256xf32> to vector<256x256xf32>
    %get3A_442 = arith.constant 0 : index
    %get3A_443 = arith.constant 0 : index
    %get3A_444 = arith.constant 512 : index
    %get3A_445 = vector.load %arg4[%get3A_442, %get3A_443, %get3A_444] : memref<1x256x4096xf32, #tpu.memory_space<vmem>>, vector<1x256x256xf32>
    %get3A_446 = vector.shape_cast %get3A_445 : vector<1x256x256xf32> to vector<256x256xf32>
    %add3A_447 = arith.addf %slice3A_441, %get3A_446 : vector<256x256xf32>
    %swap3A_448 = arith.constant 0 : index
    %swap3A_449 = arith.constant 0 : index
    %swap3A_450 = arith.constant 512 : index
    %swap3A_451 = vector.load %arg9[%swap3A_448, %swap3A_449, %swap3A_450] : memref<1x256x4096xf32, #tpu.memory_space<vmem>>, vector<1x256x256xf32>
    %swap3A_452 = vector.shape_cast %swap3A_451 : vector<1x256x256xf32> to vector<256x256xf32>
    %swap3A_453 = vector.shape_cast %add3A_447 : vector<256x256xf32> to vector<1x256x256xf32>
    tpu.vector_store %arg9[%swap3A_448, %swap3A_449, %swap3A_450], %swap3A_453 {strides = array<i32>} : memref<1x256x4096xf32, #tpu.memory_space<vmem>>, vector<1x256x256xf32>,
    %slice3A_454 = vector.extract_strided_slice %add3A_416 {offsets = [768, 0], sizes = [256, 256], strides = [1, 1]} : vector<2048x256xf32> to vector<256x256xf32>
    %get3A_455 = arith.constant 0 : index
    %get3A_456 = arith.constant 0 : index
    %get3A_457 = arith.constant 768 : index
    %get3A_458 = vector.load %arg4[%get3A_455, %get3A_456, %get3A_457] : memref<1x256x4096xf32, #tpu.memory_space<vmem>>, vector<1x256x256xf32>
    %get3A_459 = vector.shape_cast %get3A_458 : vector<1x256x256xf32> to vector<256x256xf32>
    %add3A_460 = arith.addf %slice3A_454, %get3A_459 : vector<256x256xf32>
    %swap3A_461 = arith.constant 0 : index
    %swap3A_462 = arith.constant 0 : index
    %swap3A_463 = arith.constant 768 : index
    %swap3A_464 = vector.load %arg9[%swap3A_461, %swap3A_462, %swap3A_463] : memref<1x256x4096xf32, #tpu.memory_space<vmem>>, vector<1x256x256xf32>
    %swap3A_465 = vector.shape_cast %swap3A_464 : vector<1x256x256xf32> to vector<256x256xf32>
    %swap3A_466 = vector.shape_cast %add3A_460 : vector<256x256xf32> to vector<1x256x256xf32>
    tpu.vector_store %arg9[%swap3A_461, %swap3A_462, %swap3A_463], %swap3A_466 {strides = array<i32>} : memref<1x256x4096xf32, #tpu.memory_space<vmem>>, vector<1x256x256xf32>,
    %slice3A_467 = vector.extract_strided_slice %add3A_416 {offsets = [1024, 0], sizes = [256, 256], strides = [1, 1]} : vector<2048x256xf32> to vector<256x256xf32>
    %get3A_468 = arith.constant 0 : index
    %get3A_469 = arith.constant 0 : index
    %get3A_470 = arith.constant 1024 : index
    %get3A_471 = vector.load %arg4[%get3A_468, %get3A_469, %get3A_470] : memref<1x256x4096xf32, #tpu.memory_space<vmem>>, vector<1x256x256xf32>
    %get3A_472 = vector.shape_cast %get3A_471 : vector<1x256x256xf32> to vector<256x256xf32>
    %add3A_473 = arith.addf %slice3A_467, %get3A_472 : vector<256x256xf32>
    %swap3A_474 = arith.constant 0 : index
    %swap3A_475 = arith.constant 0 : index
    %swap3A_476 = arith.constant 1024 : index
    %swap3A_477 = vector.load %arg9[%swap3A_474, %swap3A_475, %swap3A_476] : memref<1x256x4096xf32, #tpu.memory_space<vmem>>, vector<1x256x256xf32>
    %swap3A_478 = vector.shape_cast %swap3A_477 : vector<1x256x256xf32> to vector<256x256xf32>
    %swap3A_479 = vector.shape_cast %add3A_473 : vector<256x256xf32> to vector<1x256x256xf32>
    tpu.vector_store %arg9[%swap3A_474, %swap3A_475, %swap3A_476], %swap3A_479 {strides = array<i32>} : memref<1x256x4096xf32, #tpu.memory_space<vmem>>, vector<1x256x256xf32>,
    %slice3A_480 = vector.extract_strided_slice %add3A_416 {offsets = [1280, 0], sizes = [256, 256], strides = [1, 1]} : vector<2048x256xf32> to vector<256x256xf32>
    %get3A_481 = arith.constant 0 : index
    %get3A_482 = arith.constant 0 : index
    %get3A_483 = arith.constant 1280 : index
    %get3A_484 = vector.load %arg4[%get3A_481, %get3A_482, %get3A_483] : memref<1x256x4096xf32, #tpu.memory_space<vmem>>, vector<1x256x256xf32>
    %get3A_485 = vector.shape_cast %get3A_484 : vector<1x256x256xf32> to vector<256x256xf32>
    %add3A_486 = arith.addf %slice3A_480, %get3A_485 : vector<256x256xf32>
    %swap3A_487 = arith.constant 0 : index
    %swap3A_488 = arith.constant 0 : index
    %swap3A_489 = arith.constant 1280 : index
    %swap3A_490 = vector.load %arg9[%swap3A_487, %swap3A_488, %swap3A_489] : memref<1x256x4096xf32, #tpu.memory_space<vmem>>, vector<1x256x256xf32>
    %swap3A_491 = vector.shape_cast %swap3A_490 : vector<1x256x256xf32> to vector<256x256xf32>
    %swap3A_492 = vector.shape_cast %add3A_486 : vector<256x256xf32> to vector<1x256x256xf32>
    tpu.vector_store %arg9[%swap3A_487, %swap3A_488, %swap3A_489], %swap3A_492 {strides = array<i32>} : memref<1x256x4096xf32, #tpu.memory_space<vmem>>, vector<1x256x256xf32>,
    %slice3A_493 = vector.extract_strided_slice %add3A_416 {offsets = [1536, 0], sizes = [256, 256], strides = [1, 1]} : vector<2048x256xf32> to vector<256x256xf32>
    %get3A_494 = arith.constant 0 : index
    %get3A_495 = arith.constant 0 : index
    %get3A_496 = arith.constant 1536 : index
    %get3A_497 = vector.load %arg4[%get3A_494, %get3A_495, %get3A_496] : memref<1x256x4096xf32, #tpu.memory_space<vmem>>, vector<1x256x256xf32>
    %get3A_498 = vector.shape_cast %get3A_497 : vector<1x256x256xf32> to vector<256x256xf32>
    %add3A_499 = arith.addf %slice3A_493, %get3A_498 : vector<256x256xf32>
    %swap3A_500 = arith.constant 0 : index
    %swap3A_501 = arith.constant 0 : index
    %swap3A_502 = arith.constant 1536 : index
    %swap3A_503 = vector.load %arg9[%swap3A_500, %swap3A_501, %swap3A_502] : memref<1x256x4096xf32, #tpu.memory_space<vmem>>, vector<1x256x256xf32>
    %swap3A_504 = vector.shape_cast %swap3A_503 : vector<1x256x256xf32> to vector<256x256xf32>
    %swap3A_505 = vector.shape_cast %add3A_499 : vector<256x256xf32> to vector<1x256x256xf32>
    tpu.vector_store %arg9[%swap3A_500, %swap3A_501, %swap3A_502], %swap3A_505 {strides = array<i32>} : memref<1x256x4096xf32, #tpu.memory_space<vmem>>, vector<1x256x256xf32>,
    %slice3A_506 = vector.extract_strided_slice %add3A_416 {offsets = [1792, 0], sizes = [256, 256], strides = [1, 1]} : vector<2048x256xf32> to vector<256x256xf32>
    %get3A_507 = arith.constant 0 : index
    %get3A_508 = arith.constant 0 : index
    %get3A_509 = arith.constant 1792 : index
    %get3A_510 = vector.load %arg4[%get3A_507, %get3A_508, %get3A_509] : memref<1x256x4096xf32, #tpu.memory_space<vmem>>, vector<1x256x256xf32>
    %get3A_511 = vector.shape_cast %get3A_510 : vector<1x256x256xf32> to vector<256x256xf32>
    %add3A_512 = arith.addf %slice3A_506, %get3A_511 : vector<256x256xf32>
    %swap3A_513 = arith.constant 0 : index
    %swap3A_514 = arith.constant 0 : index
    %swap3A_515 = arith.constant 1792 : index
    %swap3A_516 = vector.load %arg9[%swap3A_513, %swap3A_514, %swap3A_515] : memref<1x256x4096xf32, #tpu.memory_space<vmem>>, vector<1x256x256xf32>
    %swap3A_517 = vector.shape_cast %swap3A_516 : vector<1x256x256xf32> to vector<256x256xf32>
    %swap3A_518 = vector.shape_cast %add3A_512 : vector<256x256xf32> to vector<1x256x256xf32>
    tpu.vector_store %arg9[%swap3A_513, %swap3A_514, %swap3A_515], %swap3A_518 {strides = array<i32>} : memref<1x256x4096xf32, #tpu.memory_space<vmem>>, vector<1x256x256xf32>,
    %get3A_519 = arith.constant 0 : index
    %get3A_520 = arith.constant 8 : index
    %get3A_521 = arith.constant 0 : index
    %get3A_522 = arith.constant 0 : index
    %get3A_523 = vector.load %arg3[%get3A_519, %get3A_520, %get3A_521, %get3A_522] : memref<1x16x256x256xbf16, #tpu.memory_space<vmem>>, vector<1x1x256x256xbf16>
    %get3A_524 = vector.shape_cast %get3A_523 : vector<1x1x256x256xbf16> to vector<256x256xbf16>
    %get3A_525 = arith.constant 0 : index
    %get3A_526 = arith.constant 9 : index
    %get3A_527 = arith.constant 0 : index
    %get3A_528 = arith.constant 0 : index
    %get3A_529 = vector.load %arg3[%get3A_525, %get3A_526, %get3A_527, %get3A_528] : memref<1x16x256x256xbf16, #tpu.memory_space<vmem>>, vector<1x1x256x256xbf16>
    %get3A_530 = vector.shape_cast %get3A_529 : vector<1x1x256x256xbf16> to vector<256x256xbf16>
    %get3A_531 = arith.constant 0 : index
    %get3A_532 = arith.constant 10 : index
    %get3A_533 = arith.constant 0 : index
    %get3A_534 = arith.constant 0 : index
    %get3A_535 = vector.load %arg3[%get3A_531, %get3A_532, %get3A_533, %get3A_534] : memref<1x16x256x256xbf16, #tpu.memory_space<vmem>>, vector<1x1x256x256xbf16>
    %get3A_536 = vector.shape_cast %get3A_535 : vector<1x1x256x256xbf16> to vector<256x256xbf16>
    %get3A_537 = arith.constant 0 : index
    %get3A_538 = arith.constant 11 : index
    %get3A_539 = arith.constant 0 : index
    %get3A_540 = arith.constant 0 : index
    %get3A_541 = vector.load %arg3[%get3A_537, %get3A_538, %get3A_539, %get3A_540] : memref<1x16x256x256xbf16, #tpu.memory_space<vmem>>, vector<1x1x256x256xbf16>
    %get3A_542 = vector.shape_cast %get3A_541 : vector<1x1x256x256xbf16> to vector<256x256xbf16>
    %get3A_543 = arith.constant 0 : index
    %get3A_544 = arith.constant 12 : index
    %get3A_545 = arith.constant 0 : index
    %get3A_546 = arith.constant 0 : index
    %get3A_547 = vector.load %arg3[%get3A_543, %get3A_544, %get3A_545, %get3A_546] : memref<1x16x256x256xbf16, #tpu.memory_space<vmem>>, vector<1x1x256x256xbf16>
    %get3A_548 = vector.shape_cast %get3A_547 : vector<1x1x256x256xbf16> to vector<256x256xbf16>
    %get3A_549 = arith.constant 0 : index
    %get3A_550 = arith.constant 13 : index
    %get3A_551 = arith.constant 0 : index
    %get3A_552 = arith.constant 0 : index
    %get3A_553 = vector.load %arg3[%get3A_549, %get3A_550, %get3A_551, %get3A_552] : memref<1x16x256x256xbf16, #tpu.memory_space<vmem>>, vector<1x1x256x256xbf16>
    %get3A_554 = vector.shape_cast %get3A_553 : vector<1x1x256x256xbf16> to vector<256x256xbf16>
    %get3A_555 = arith.constant 0 : index
    %get3A_556 = arith.constant 14 : index
    %get3A_557 = arith.constant 0 : index
    %get3A_558 = arith.constant 0 : index
    %get3A_559 = vector.load %arg3[%get3A_555, %get3A_556, %get3A_557, %get3A_558] : memref<1x16x256x256xbf16, #tpu.memory_space<vmem>>, vector<1x1x256x256xbf16>
    %get3A_560 = vector.shape_cast %get3A_559 : vector<1x1x256x256xbf16> to vector<256x256xbf16>
    %get3A_561 = arith.constant 0 : index
    %get3A_562 = arith.constant 15 : index
    %get3A_563 = arith.constant 0 : index
    %get3A_564 = arith.constant 0 : index
    %get3A_565 = vector.load %arg3[%get3A_561, %get3A_562, %get3A_563, %get3A_564] : memref<1x16x256x256xbf16, #tpu.memory_space<vmem>>, vector<1x1x256x256xbf16>
    %get3A_566 = vector.shape_cast %get3A_565 : vector<1x1x256x256xbf16> to vector<256x256xbf16>
    %concatenate3A_567 = tpu.concatenate %get3A_524, %get3A_530, %get3A_536, %get3A_542, %get3A_548, %get3A_554, %get3A_560, %get3A_566 in 0 : vector<256x256xbf16>, vector<256x256xbf16>, vector<256x256xbf16>, vector<256x256xbf16>, vector<256x256xbf16>, vector<256x256xbf16>, vector<256x256xbf16>, vector<256x256xbf16> -> vector<2048x256xbf16>
    %get3A_568 = arith.constant 0 : index
    %get3A_569 = arith.constant 0 : index
    %get3A_570 = vector.load %arg5[%get3A_568, %get3A_569] : memref<1280x512xbf16, #tpu.memory_space<vmem>>, vector<256x512xbf16>
    %dot_general3A_571 = arith.constant dense<0.000000e+00> : vector<2048x512xf32>
    %dot_general3A_572 = tpu.matmul %concatenate3A_567, %get3A_570, %dot_general3A_571 {dimension_numbers = #tpu.dot_dimension_numbers<[1], [0], [0], [1], [0, 0, 1, 1], [], []>, transpose_lhs_hint = false} : vector<2048x256xbf16>, vector<256x512xbf16>, vector<2048x512xf32> -> vector<2048x512xf32>
    %get3A_573 = arith.index_cast %arg0 : i32 to index
    %get3A_574 = arith.constant 8 : index
    %get3A_575 = arith.constant 0 : index
    %get3A_576 = memref.load %arg2[%get3A_573, %get3A_574, %get3A_575] : memref<4x16x4xi32, #tpu.memory_space<smem>>
    %get3A_577 = arith.constant 0 : index
    %get3A_578 = arith.index_cast %get3A_576 : i32 to index
    %get3A_579 = arith.constant 0 : index
    %get3A_580 = arith.constant 0 : index
    %get3A_581 = vector.load %arg3[%get3A_577, %get3A_578, %get3A_579, %get3A_580] : memref<1x16x256x256xbf16, #tpu.memory_space<vmem>>, vector<1x1x256x256xbf16>
    %get3A_582 = vector.shape_cast %get3A_581 : vector<1x1x256x256xbf16> to vector<256x256xbf16>
    %get3A_583 = arith.index_cast %arg0 : i32 to index
    %get3A_584 = arith.constant 9 : index
    %get3A_585 = arith.constant 0 : index
    %get3A_586 = memref.load %arg2[%get3A_583, %get3A_584, %get3A_585] : memref<4x16x4xi32, #tpu.memory_space<smem>>
    %get3A_587 = arith.constant 0 : index
    %get3A_588 = arith.index_cast %get3A_586 : i32 to index
    %get3A_589 = arith.constant 0 : index
    %get3A_590 = arith.constant 0 : index
    %get3A_591 = vector.load %arg3[%get3A_587, %get3A_588, %get3A_589, %get3A_590] : memref<1x16x256x256xbf16, #tpu.memory_space<vmem>>, vector<1x1x256x256xbf16>
    %get3A_592 = vector.shape_cast %get3A_591 : vector<1x1x256x256xbf16> to vector<256x256xbf16>
    %get3A_593 = arith.index_cast %arg0 : i32 to index
    %get3A_594 = arith.constant 10 : index
    %get3A_595 = arith.constant 0 : index
    %get3A_596 = memref.load %arg2[%get3A_593, %get3A_594, %get3A_595] : memref<4x16x4xi32, #tpu.memory_space<smem>>
    %get3A_597 = arith.constant 0 : index
    %get3A_598 = arith.index_cast %get3A_596 : i32 to index
    %get3A_599 = arith.constant 0 : index
    %get3A_600 = arith.constant 0 : index
    %get3A_601 = vector.load %arg3[%get3A_597, %get3A_598, %get3A_599, %get3A_600] : memref<1x16x256x256xbf16, #tpu.memory_space<vmem>>, vector<1x1x256x256xbf16>
    %get3A_602 = vector.shape_cast %get3A_601 : vector<1x1x256x256xbf16> to vector<256x256xbf16>
    %get3A_603 = arith.index_cast %arg0 : i32 to index
    %get3A_604 = arith.constant 11 : index
    %get3A_605 = arith.constant 0 : index
    %get3A_606 = memref.load %arg2[%get3A_603, %get3A_604, %get3A_605] : memref<4x16x4xi32, #tpu.memory_space<smem>>
    %get3A_607 = arith.constant 0 : index
    %get3A_608 = arith.index_cast %get3A_606 : i32 to index
    %get3A_609 = arith.constant 0 : index
    %get3A_610 = arith.constant 0 : index
    %get3A_611 = vector.load %arg3[%get3A_607, %get3A_608, %get3A_609, %get3A_610] : memref<1x16x256x256xbf16, #tpu.memory_space<vmem>>, vector<1x1x256x256xbf16>
    %get3A_612 = vector.shape_cast %get3A_611 : vector<1x1x256x256xbf16> to vector<256x256xbf16>
    %get3A_613 = arith.index_cast %arg0 : i32 to index
    %get3A_614 = arith.constant 12 : index
    %get3A_615 = arith.constant 0 : index
    %get3A_616 = memref.load %arg2[%get3A_613, %get3A_614, %get3A_615] : memref<4x16x4xi32, #tpu.memory_space<smem>>
    %get3A_617 = arith.constant 0 : index
    %get3A_618 = arith.index_cast %get3A_616 : i32 to index
    %get3A_619 = arith.constant 0 : index
    %get3A_620 = arith.constant 0 : index
    %get3A_621 = vector.load %arg3[%get3A_617, %get3A_618, %get3A_619, %get3A_620] : memref<1x16x256x256xbf16, #tpu.memory_space<vmem>>, vector<1x1x256x256xbf16>
    %get3A_622 = vector.shape_cast %get3A_621 : vector<1x1x256x256xbf16> to vector<256x256xbf16>
    %get3A_623 = arith.index_cast %arg0 : i32 to index
    %get3A_624 = arith.constant 13 : index
    %get3A_625 = arith.constant 0 : index
    %get3A_626 = memref.load %arg2[%get3A_623, %get3A_624, %get3A_625] : memref<4x16x4xi32, #tpu.memory_space<smem>>
    %get3A_627 = arith.constant 0 : index
    %get3A_628 = arith.index_cast %get3A_626 : i32 to index
    %get3A_629 = arith.constant 0 : index
    %get3A_630 = arith.constant 0 : index
    %get3A_631 = vector.load %arg3[%get3A_627, %get3A_628, %get3A_629, %get3A_630] : memref<1x16x256x256xbf16, #tpu.memory_space<vmem>>, vector<1x1x256x256xbf16>
    %get3A_632 = vector.shape_cast %get3A_631 : vector<1x1x256x256xbf16> to vector<256x256xbf16>
    %get3A_633 = arith.index_cast %arg0 : i32 to index
    %get3A_634 = arith.constant 14 : index
    %get3A_635 = arith.constant 0 : index
    %get3A_636 = memref.load %arg2[%get3A_633, %get3A_634, %get3A_635] : memref<4x16x4xi32, #tpu.memory_space<smem>>
    %get3A_637 = arith.constant 0 : index
    %get3A_638 = arith.index_cast %get3A_636 : i32 to index
    %get3A_639 = arith.constant 0 : index
    %get3A_640 = arith.constant 0 : index
    %get3A_641 = vector.load %arg3[%get3A_637, %get3A_638, %get3A_639, %get3A_640] : memref<1x16x256x256xbf16, #tpu.memory_space<vmem>>, vector<1x1x256x256xbf16>
    %get3A_642 = vector.shape_cast %get3A_641 : vector<1x1x256x256xbf16> to vector<256x256xbf16>
    %get3A_643 = arith.index_cast %arg0 : i32 to index
    %get3A_644 = arith.constant 15 : index
    %get3A_645 = arith.constant 0 : index
    %get3A_646 = memref.load %arg2[%get3A_643, %get3A_644, %get3A_645] : memref<4x16x4xi32, #tpu.memory_space<smem>>
    %get3A_647 = arith.constant 0 : index
    %get3A_648 = arith.index_cast %get3A_646 : i32 to index
    %get3A_649 = arith.constant 0 : index
    %get3A_650 = arith.constant 0 : index
    %get3A_651 = vector.load %arg3[%get3A_647, %get3A_648, %get3A_649, %get3A_650] : memref<1x16x256x256xbf16, #tpu.memory_space<vmem>>, vector<1x1x256x256xbf16>
    %get3A_652 = vector.shape_cast %get3A_651 : vector<1x1x256x256xbf16> to vector<256x256xbf16>
    %concatenate3A_653 = tpu.concatenate %get3A_582, %get3A_592, %get3A_602, %get3A_612, %get3A_622, %get3A_632, %get3A_642, %get3A_652 in 0 : vector<256x256xbf16>, vector<256x256xbf16>, vector<256x256xbf16>, vector<256x256xbf16>, vector<256x256xbf16>, vector<256x256xbf16>, vector<256x256xbf16>, vector<256x256xbf16> -> vector<2048x256xbf16>
    %get3A_654 = arith.constant 256 : index
    %get3A_655 = arith.constant 0 : index
    %get3A_656 = vector.load %arg5[%get3A_654, %get3A_655] : memref<1280x512xbf16, #tpu.memory_space<vmem>>, vector<256x512xbf16>
    %dot_general3A_657 = arith.constant dense<0.000000e+00> : vector<2048x512xf32>
    %dot_general3A_658 = tpu.matmul %concatenate3A_653, %get3A_656, %dot_general3A_657 {dimension_numbers = #tpu.dot_dimension_numbers<[1], [0], [0], [1], [0, 0, 1, 1], [], []>, transpose_lhs_hint = false} : vector<2048x256xbf16>, vector<256x512xbf16>, vector<2048x512xf32> -> vector<2048x512xf32>
    %add3A_659 = arith.addf %dot_general3A_572, %dot_general3A_658 : vector<2048x512xf32>
    %get3A_660 = arith.index_cast %arg0 : i32 to index
    %get3A_661 = arith.constant 8 : index
    %get3A_662 = arith.constant 1 : index
    %get3A_663 = memref.load %arg2[%get3A_660, %get3A_661, %get3A_662] : memref<4x16x4xi32, #tpu.memory_space<smem>>
    %get3A_664 = arith.constant 0 : index
    %get3A_665 = arith.index_cast %get3A_663 : i32 to index
    %get3A_666 = arith.constant 0 : index
    %get3A_667 = arith.constant 0 : index
    %get3A_668 = vector.load %arg3[%get3A_664, %get3A_665, %get3A_666, %get3A_667] : memref<1x16x256x256xbf16, #tpu.memory_space<vmem>>, vector<1x1x256x256xbf16>
    %get3A_669 = vector.shape_cast %get3A_668 : vector<1x1x256x256xbf16> to vector<256x256xbf16>
    %get3A_670 = arith.index_cast %arg0 : i32 to index
    %get3A_671 = arith.constant 9 : index
    %get3A_672 = arith.constant 1 : index
    %get3A_673 = memref.load %arg2[%get3A_670, %get3A_671, %get3A_672] : memref<4x16x4xi32, #tpu.memory_space<smem>>
    %get3A_674 = arith.constant 0 : index
    %get3A_675 = arith.index_cast %get3A_673 : i32 to index
    %get3A_676 = arith.constant 0 : index
    %get3A_677 = arith.constant 0 : index
    %get3A_678 = vector.load %arg3[%get3A_674, %get3A_675, %get3A_676, %get3A_677] : memref<1x16x256x256xbf16, #tpu.memory_space<vmem>>, vector<1x1x256x256xbf16>
    %get3A_679 = vector.shape_cast %get3A_678 : vector<1x1x256x256xbf16> to vector<256x256xbf16>
    %get3A_680 = arith.index_cast %arg0 : i32 to index
    %get3A_681 = arith.constant 10 : index
    %get3A_682 = arith.constant 1 : index
    %get3A_683 = memref.load %arg2[%get3A_680, %get3A_681, %get3A_682] : memref<4x16x4xi32, #tpu.memory_space<smem>>
    %get3A_684 = arith.constant 0 : index
    %get3A_685 = arith.index_cast %get3A_683 : i32 to index
    %get3A_686 = arith.constant 0 : index
    %get3A_687 = arith.constant 0 : index
    %get3A_688 = vector.load %arg3[%get3A_684, %get3A_685, %get3A_686, %get3A_687] : memref<1x16x256x256xbf16, #tpu.memory_space<vmem>>, vector<1x1x256x256xbf16>
    %get3A_689 = vector.shape_cast %get3A_688 : vector<1x1x256x256xbf16> to vector<256x256xbf16>
    %get3A_690 = arith.index_cast %arg0 : i32 to index
    %get3A_691 = arith.constant 11 : index
    %get3A_692 = arith.constant 1 : index
    %get3A_693 = memref.load %arg2[%get3A_690, %get3A_691, %get3A_692] : memref<4x16x4xi32, #tpu.memory_space<smem>>
    %get3A_694 = arith.constant 0 : index
    %get3A_695 = arith.index_cast %get3A_693 : i32 to index
    %get3A_696 = arith.constant 0 : index
    %get3A_697 = arith.constant 0 : index
    %get3A_698 = vector.load %arg3[%get3A_694, %get3A_695, %get3A_696, %get3A_697] : memref<1x16x256x256xbf16, #tpu.memory_space<vmem>>, vector<1x1x256x256xbf16>
    %get3A_699 = vector.shape_cast %get3A_698 : vector<1x1x256x256xbf16> to vector<256x256xbf16>
    %get3A_700 = arith.index_cast %arg0 : i32 to index
    %get3A_701 = arith.constant 12 : index
    %get3A_702 = arith.constant 1 : index
    %get3A_703 = memref.load %arg2[%get3A_700, %get3A_701, %get3A_702] : memref<4x16x4xi32, #tpu.memory_space<smem>>
    %get3A_704 = arith.constant 0 : index
    %get3A_705 = arith.index_cast %get3A_703 : i32 to index
    %get3A_706 = arith.constant 0 : index
    %get3A_707 = arith.constant 0 : index
    %get3A_708 = vector.load %arg3[%get3A_704, %get3A_705, %get3A_706, %get3A_707] : memref<1x16x256x256xbf16, #tpu.memory_space<vmem>>, vector<1x1x256x256xbf16>
    %get3A_709 = vector.shape_cast %get3A_708 : vector<1x1x256x256xbf16> to vector<256x256xbf16>
    %get3A_710 = arith.index_cast %arg0 : i32 to index
    %get3A_711 = arith.constant 13 : index
    %get3A_712 = arith.constant 1 : index
    %get3A_713 = memref.load %arg2[%get3A_710, %get3A_711, %get3A_712] : memref<4x16x4xi32, #tpu.memory_space<smem>>
    %get3A_714 = arith.constant 0 : index
    %get3A_715 = arith.index_cast %get3A_713 : i32 to index
    %get3A_716 = arith.constant 0 : index
    %get3A_717 = arith.constant 0 : index
    %get3A_718 = vector.load %arg3[%get3A_714, %get3A_715, %get3A_716, %get3A_717] : memref<1x16x256x256xbf16, #tpu.memory_space<vmem>>, vector<1x1x256x256xbf16>
    %get3A_719 = vector.shape_cast %get3A_718 : vector<1x1x256x256xbf16> to vector<256x256xbf16>
    %get3A_720 = arith.index_cast %arg0 : i32 to index
    %get3A_721 = arith.constant 14 : index
    %get3A_722 = arith.constant 1 : index
    %get3A_723 = memref.load %arg2[%get3A_720, %get3A_721, %get3A_722] : memref<4x16x4xi32, #tpu.memory_space<smem>>
    %get3A_724 = arith.constant 0 : index
    %get3A_725 = arith.index_cast %get3A_723 : i32 to index
    %get3A_726 = arith.constant 0 : index
    %get3A_727 = arith.constant 0 : index
    %get3A_728 = vector.load %arg3[%get3A_724, %get3A_725, %get3A_726, %get3A_727] : memref<1x16x256x256xbf16, #tpu.memory_space<vmem>>, vector<1x1x256x256xbf16>
    %get3A_729 = vector.shape_cast %get3A_728 : vector<1x1x256x256xbf16> to vector<256x256xbf16>
    %get3A_730 = arith.index_cast %arg0 : i32 to index
    %get3A_731 = arith.constant 15 : index
    %get3A_732 = arith.constant 1 : index
    %get3A_733 = memref.load %arg2[%get3A_730, %get3A_731, %get3A_732] : memref<4x16x4xi32, #tpu.memory_space<smem>>
    %get3A_734 = arith.constant 0 : index
    %get3A_735 = arith.index_cast %get3A_733 : i32 to index
    %get3A_736 = arith.constant 0 : index
    %get3A_737 = arith.constant 0 : index
    %get3A_738 = vector.load %arg3[%get3A_734, %get3A_735, %get3A_736, %get3A_737] : memref<1x16x256x256xbf16, #tpu.memory_space<vmem>>, vector<1x1x256x256xbf16>
    %get3A_739 = vector.shape_cast %get3A_738 : vector<1x1x256x256xbf16> to vector<256x256xbf16>
    %concatenate3A_740 = tpu.concatenate %get3A_669, %get3A_679, %get3A_689, %get3A_699, %get3A_709, %get3A_719, %get3A_729, %get3A_739 in 0 : vector<256x256xbf16>, vector<256x256xbf16>, vector<256x256xbf16>, vector<256x256xbf16>, vector<256x256xbf16>, vector<256x256xbf16>, vector<256x256xbf16>, vector<256x256xbf16> -> vector<2048x256xbf16>
    %get3A_741 = arith.constant 512 : index
    %get3A_742 = arith.constant 0 : index
    %get3A_743 = vector.load %arg5[%get3A_741, %get3A_742] : memref<1280x512xbf16, #tpu.memory_space<vmem>>, vector<256x512xbf16>
    %dot_general3A_744 = arith.constant dense<0.000000e+00> : vector<2048x512xf32>
    %dot_general3A_745 = tpu.matmul %concatenate3A_740, %get3A_743, %dot_general3A_744 {dimension_numbers = #tpu.dot_dimension_numbers<[1], [0], [0], [1], [0, 0, 1, 1], [], []>, transpose_lhs_hint = false} : vector<2048x256xbf16>, vector<256x512xbf16>, vector<2048x512xf32> -> vector<2048x512xf32>
    %add3A_746 = arith.addf %add3A_659, %dot_general3A_745 : vector<2048x512xf32>
    %get3A_747 = arith.index_cast %arg0 : i32 to index
    %get3A_748 = arith.constant 8 : index
    %get3A_749 = arith.constant 2 : index
    %get3A_750 = memref.load %arg2[%get3A_747, %get3A_748, %get3A_749] : memref<4x16x4xi32, #tpu.memory_space<smem>>
    %get3A_751 = arith.constant 0 : index
    %get3A_752 = arith.index_cast %get3A_750 : i32 to index
    %get3A_753 = arith.constant 0 : index
    %get3A_754 = arith.constant 0 : index
    %get3A_755 = vector.load %arg3[%get3A_751, %get3A_752, %get3A_753, %get3A_754] : memref<1x16x256x256xbf16, #tpu.memory_space<vmem>>, vector<1x1x256x256xbf16>
    %get3A_756 = vector.shape_cast %get3A_755 : vector<1x1x256x256xbf16> to vector<256x256xbf16>
    %get3A_757 = arith.index_cast %arg0 : i32 to index
    %get3A_758 = arith.constant 9 : index
    %get3A_759 = arith.constant 2 : index
    %get3A_760 = memref.load %arg2[%get3A_757, %get3A_758, %get3A_759] : memref<4x16x4xi32, #tpu.memory_space<smem>>
    %get3A_761 = arith.constant 0 : index
    %get3A_762 = arith.index_cast %get3A_760 : i32 to index
    %get3A_763 = arith.constant 0 : index
    %get3A_764 = arith.constant 0 : index
    %get3A_765 = vector.load %arg3[%get3A_761, %get3A_762, %get3A_763, %get3A_764] : memref<1x16x256x256xbf16, #tpu.memory_space<vmem>>, vector<1x1x256x256xbf16>
    %get3A_766 = vector.shape_cast %get3A_765 : vector<1x1x256x256xbf16> to vector<256x256xbf16>
    %get3A_767 = arith.index_cast %arg0 : i32 to index
    %get3A_768 = arith.constant 10 : index
    %get3A_769 = arith.constant 2 : index
    %get3A_770 = memref.load %arg2[%get3A_767, %get3A_768, %get3A_769] : memref<4x16x4xi32, #tpu.memory_space<smem>>
    %get3A_771 = arith.constant 0 : index
    %get3A_772 = arith.index_cast %get3A_770 : i32 to index
    %get3A_773 = arith.constant 0 : index
    %get3A_774 = arith.constant 0 : index
    %get3A_775 = vector.load %arg3[%get3A_771, %get3A_772, %get3A_773, %get3A_774] : memref<1x16x256x256xbf16, #tpu.memory_space<vmem>>, vector<1x1x256x256xbf16>
    %get3A_776 = vector.shape_cast %get3A_775 : vector<1x1x256x256xbf16> to vector<256x256xbf16>
    %get3A_777 = arith.index_cast %arg0 : i32 to index
    %get3A_778 = arith.constant 11 : index
    %get3A_779 = arith.constant 2 : index
    %get3A_780 = memref.load %arg2[%get3A_777, %get3A_778, %get3A_779] : memref<4x16x4xi32, #tpu.memory_space<smem>>
    %get3A_781 = arith.constant 0 : index
    %get3A_782 = arith.index_cast %get3A_780 : i32 to index
    %get3A_783 = arith.constant 0 : index
    %get3A_784 = arith.constant 0 : index
    %get3A_785 = vector.load %arg3[%get3A_781, %get3A_782, %get3A_783, %get3A_784] : memref<1x16x256x256xbf16, #tpu.memory_space<vmem>>, vector<1x1x256x256xbf16>
    %get3A_786 = vector.shape_cast %get3A_785 : vector<1x1x256x256xbf16> to vector<256x256xbf16>
    %get3A_787 = arith.index_cast %arg0 : i32 to index
    %get3A_788 = arith.constant 12 : index
    %get3A_789 = arith.constant 2 : index
    %get3A_790 = memref.load %arg2[%get3A_787, %get3A_788, %get3A_789] : memref<4x16x4xi32, #tpu.memory_space<smem>>
    %get3A_791 = arith.constant 0 : index
    %get3A_792 = arith.index_cast %get3A_790 : i32 to index
    %get3A_793 = arith.constant 0 : index
    %get3A_794 = arith.constant 0 : index
    %get3A_795 = vector.load %arg3[%get3A_791, %get3A_792, %get3A_793, %get3A_794] : memref<1x16x256x256xbf16, #tpu.memory_space<vmem>>, vector<1x1x256x256xbf16>
    %get3A_796 = vector.shape_cast %get3A_795 : vector<1x1x256x256xbf16> to vector<256x256xbf16>
    %get3A_797 = arith.index_cast %arg0 : i32 to index
    %get3A_798 = arith.constant 13 : index
    %get3A_799 = arith.constant 2 : index
    %get3A_800 = memref.load %arg2[%get3A_797, %get3A_798, %get3A_799] : memref<4x16x4xi32, #tpu.memory_space<smem>>
    %get3A_801 = arith.constant 0 : index
    %get3A_802 = arith.index_cast %get3A_800 : i32 to index
    %get3A_803 = arith.constant 0 : index
    %get3A_804 = arith.constant 0 : index
    %get3A_805 = vector.load %arg3[%get3A_801, %get3A_802, %get3A_803, %get3A_804] : memref<1x16x256x256xbf16, #tpu.memory_space<vmem>>, vector<1x1x256x256xbf16>
    %get3A_806 = vector.shape_cast %get3A_805 : vector<1x1x256x256xbf16> to vector<256x256xbf16>
    %get3A_807 = arith.index_cast %arg0 : i32 to index
    %get3A_808 = arith.constant 14 : index
    %get3A_809 = arith.constant 2 : index
    %get3A_810 = memref.load %arg2[%get3A_807, %get3A_808, %get3A_809] : memref<4x16x4xi32, #tpu.memory_space<smem>>
    %get3A_811 = arith.constant 0 : index
    %get3A_812 = arith.index_cast %get3A_810 : i32 to index
    %get3A_813 = arith.constant 0 : index
    %get3A_814 = arith.constant 0 : index
    %get3A_815 = vector.load %arg3[%get3A_811, %get3A_812, %get3A_813, %get3A_814] : memref<1x16x256x256xbf16, #tpu.memory_space<vmem>>, vector<1x1x256x256xbf16>
    %get3A_816 = vector.shape_cast %get3A_815 : vector<1x1x256x256xbf16> to vector<256x256xbf16>
    %get3A_817 = arith.index_cast %arg0 : i32 to index
    %get3A_818 = arith.constant 15 : index
    %get3A_819 = arith.constant 2 : index
    %get3A_820 = memref.load %arg2[%get3A_817, %get3A_818, %get3A_819] : memref<4x16x4xi32, #tpu.memory_space<smem>>
    %get3A_821 = arith.constant 0 : index
    %get3A_822 = arith.index_cast %get3A_820 : i32 to index
    %get3A_823 = arith.constant 0 : index
    %get3A_824 = arith.constant 0 : index
    %get3A_825 = vector.load %arg3[%get3A_821, %get3A_822, %get3A_823, %get3A_824] : memref<1x16x256x256xbf16, #tpu.memory_space<vmem>>, vector<1x1x256x256xbf16>
    %get3A_826 = vector.shape_cast %get3A_825 : vector<1x1x256x256xbf16> to vector<256x256xbf16>
    %concatenate3A_827 = tpu.concatenate %get3A_756, %get3A_766, %get3A_776, %get3A_786, %get3A_796, %get3A_806, %get3A_816, %get3A_826 in 0 : vector<256x256xbf16>, vector<256x256xbf16>, vector<256x256xbf16>, vector<256x256xbf16>, vector<256x256xbf16>, vector<256x256xbf16>, vector<256x256xbf16>, vector<256x256xbf16> -> vector<2048x256xbf16>
    %get3A_828 = arith.constant 768 : index
    %get3A_829 = arith.constant 0 : index
    %get3A_830 = vector.load %arg5[%get3A_828, %get3A_829] : memref<1280x512xbf16, #tpu.memory_space<vmem>>, vector<256x512xbf16>
    %dot_general3A_831 = arith.constant dense<0.000000e+00> : vector<2048x512xf32>
    %dot_general3A_832 = tpu.matmul %concatenate3A_827, %get3A_830, %dot_general3A_831 {dimension_numbers = #tpu.dot_dimension_numbers<[1], [0], [0], [1], [0, 0, 1, 1], [], []>, transpose_lhs_hint = false} : vector<2048x256xbf16>, vector<256x512xbf16>, vector<2048x512xf32> -> vector<2048x512xf32>
    %add3A_833 = arith.addf %add3A_746, %dot_general3A_832 : vector<2048x512xf32>
    %get3A_834 = arith.index_cast %arg0 : i32 to index
    %get3A_835 = arith.constant 8 : index
    %get3A_836 = arith.constant 3 : index
    %get3A_837 = memref.load %arg2[%get3A_834, %get3A_835, %get3A_836] : memref<4x16x4xi32, #tpu.memory_space<smem>>
    %get3A_838 = arith.constant 0 : index
    %get3A_839 = arith.index_cast %get3A_837 : i32 to index
    %get3A_840 = arith.constant 0 : index
    %get3A_841 = arith.constant 0 : index
    %get3A_842 = vector.load %arg3[%get3A_838, %get3A_839, %get3A_840, %get3A_841] : memref<1x16x256x256xbf16, #tpu.memory_space<vmem>>, vector<1x1x256x256xbf16>
    %get3A_843 = vector.shape_cast %get3A_842 : vector<1x1x256x256xbf16> to vector<256x256xbf16>
    %get3A_844 = arith.index_cast %arg0 : i32 to index
    %get3A_845 = arith.constant 9 : index
    %get3A_846 = arith.constant 3 : index
    %get3A_847 = memref.load %arg2[%get3A_844, %get3A_845, %get3A_846] : memref<4x16x4xi32, #tpu.memory_space<smem>>
    %get3A_848 = arith.constant 0 : index
    %get3A_849 = arith.index_cast %get3A_847 : i32 to index
    %get3A_850 = arith.constant 0 : index
    %get3A_851 = arith.constant 0 : index
    %get3A_852 = vector.load %arg3[%get3A_848, %get3A_849, %get3A_850, %get3A_851] : memref<1x16x256x256xbf16, #tpu.memory_space<vmem>>, vector<1x1x256x256xbf16>
    %get3A_853 = vector.shape_cast %get3A_852 : vector<1x1x256x256xbf16> to vector<256x256xbf16>
    %get3A_854 = arith.index_cast %arg0 : i32 to index
    %get3A_855 = arith.constant 10 : index
    %get3A_856 = arith.constant 3 : index
    %get3A_857 = memref.load %arg2[%get3A_854, %get3A_855, %get3A_856] : memref<4x16x4xi32, #tpu.memory_space<smem>>
    %get3A_858 = arith.constant 0 : index
    %get3A_859 = arith.index_cast %get3A_857 : i32 to index
    %get3A_860 = arith.constant 0 : index
    %get3A_861 = arith.constant 0 : index
    %get3A_862 = vector.load %arg3[%get3A_858, %get3A_859, %get3A_860, %get3A_861] : memref<1x16x256x256xbf16, #tpu.memory_space<vmem>>, vector<1x1x256x256xbf16>
    %get3A_863 = vector.shape_cast %get3A_862 : vector<1x1x256x256xbf16> to vector<256x256xbf16>
    %get3A_864 = arith.index_cast %arg0 : i32 to index
    %get3A_865 = arith.constant 11 : index
    %get3A_866 = arith.constant 3 : index
    %get3A_867 = memref.load %arg2[%get3A_864, %get3A_865, %get3A_866] : memref<4x16x4xi32, #tpu.memory_space<smem>>
    %get3A_868 = arith.constant 0 : index
    %get3A_869 = arith.index_cast %get3A_867 : i32 to index
    %get3A_870 = arith.constant 0 : index
    %get3A_871 = arith.constant 0 : index
    %get3A_872 = vector.load %arg3[%get3A_868, %get3A_869, %get3A_870, %get3A_871] : memref<1x16x256x256xbf16, #tpu.memory_space<vmem>>, vector<1x1x256x256xbf16>
    %get3A_873 = vector.shape_cast %get3A_872 : vector<1x1x256x256xbf16> to vector<256x256xbf16>
    %get3A_874 = arith.index_cast %arg0 : i32 to index
    %get3A_875 = arith.constant 12 : index
    %get3A_876 = arith.constant 3 : index
    %get3A_877 = memref.load %arg2[%get3A_874, %get3A_875, %get3A_876] : memref<4x16x4xi32, #tpu.memory_space<smem>>
    %get3A_878 = arith.constant 0 : index
    %get3A_879 = arith.index_cast %get3A_877 : i32 to index
    %get3A_880 = arith.constant 0 : index
    %get3A_881 = arith.constant 0 : index
    %get3A_882 = vector.load %arg3[%get3A_878, %get3A_879, %get3A_880, %get3A_881] : memref<1x16x256x256xbf16, #tpu.memory_space<vmem>>, vector<1x1x256x256xbf16>
    %get3A_883 = vector.shape_cast %get3A_882 : vector<1x1x256x256xbf16> to vector<256x256xbf16>
    %get3A_884 = arith.index_cast %arg0 : i32 to index
    %get3A_885 = arith.constant 13 : index
    %get3A_886 = arith.constant 3 : index
    %get3A_887 = memref.load %arg2[%get3A_884, %get3A_885, %get3A_886] : memref<4x16x4xi32, #tpu.memory_space<smem>>
    %get3A_888 = arith.constant 0 : index
    %get3A_889 = arith.index_cast %get3A_887 : i32 to index
    %get3A_890 = arith.constant 0 : index
    %get3A_891 = arith.constant 0 : index
    %get3A_892 = vector.load %arg3[%get3A_888, %get3A_889, %get3A_890, %get3A_891] : memref<1x16x256x256xbf16, #tpu.memory_space<vmem>>, vector<1x1x256x256xbf16>
    %get3A_893 = vector.shape_cast %get3A_892 : vector<1x1x256x256xbf16> to vector<256x256xbf16>
    %get3A_894 = arith.index_cast %arg0 : i32 to index
    %get3A_895 = arith.constant 14 : index
    %get3A_896 = arith.constant 3 : index
    %get3A_897 = memref.load %arg2[%get3A_894, %get3A_895, %get3A_896] : memref<4x16x4xi32, #tpu.memory_space<smem>>
    %get3A_898 = arith.constant 0 : index
    %get3A_899 = arith.index_cast %get3A_897 : i32 to index
    %get3A_900 = arith.constant 0 : index
    %get3A_901 = arith.constant 0 : index
    %get3A_902 = vector.load %arg3[%get3A_898, %get3A_899, %get3A_900, %get3A_901] : memref<1x16x256x256xbf16, #tpu.memory_space<vmem>>, vector<1x1x256x256xbf16>
    %get3A_903 = vector.shape_cast %get3A_902 : vector<1x1x256x256xbf16> to vector<256x256xbf16>
    %get3A_904 = arith.index_cast %arg0 : i32 to index
    %get3A_905 = arith.constant 15 : index
    %get3A_906 = arith.constant 3 : index
    %get3A_907 = memref.load %arg2[%get3A_904, %get3A_905, %get3A_906] : memref<4x16x4xi32, #tpu.memory_space<smem>>
    %get3A_908 = arith.constant 0 : index
    %get3A_909 = arith.index_cast %get3A_907 : i32 to index
    %get3A_910 = arith.constant 0 : index
    %get3A_911 = arith.constant 0 : index
    %get3A_912 = vector.load %arg3[%get3A_908, %get3A_909, %get3A_910, %get3A_911] : memref<1x16x256x256xbf16, #tpu.memory_space<vmem>>, vector<1x1x256x256xbf16>
    %get3A_913 = vector.shape_cast %get3A_912 : vector<1x1x256x256xbf16> to vector<256x256xbf16>
    %concatenate3A_914 = tpu.concatenate %get3A_843, %get3A_853, %get3A_863, %get3A_873, %get3A_883, %get3A_893, %get3A_903, %get3A_913 in 0 : vector<256x256xbf16>, vector<256x256xbf16>, vector<256x256xbf16>, vector<256x256xbf16>, vector<256x256xbf16>, vector<256x256xbf16>, vector<256x256xbf16>, vector<256x256xbf16> -> vector<2048x256xbf16>
    %get3A_915 = arith.constant 1024 : index
    %get3A_916 = arith.constant 0 : index
    %get3A_917 = vector.load %arg5[%get3A_915, %get3A_916] : memref<1280x512xbf16, #tpu.memory_space<vmem>>, vector<256x512xbf16>
    %dot_general3A_918 = arith.constant dense<0.000000e+00> : vector<2048x512xf32>
    %dot_general3A_919 = tpu.matmul %concatenate3A_914, %get3A_917, %dot_general3A_918 {dimension_numbers = #tpu.dot_dimension_numbers<[1], [0], [0], [1], [0, 0, 1, 1], [], []>, transpose_lhs_hint = false} : vector<2048x256xbf16>, vector<256x512xbf16>, vector<2048x512xf32> -> vector<2048x512xf32>
    %add3A_920 = arith.addf %add3A_833, %dot_general3A_919 : vector<2048x512xf32>
    %get3A_921 = arith.constant 0 : index
    %get3A_922 = arith.constant 0 : index
    %get3A_923 = vector.load %arg6[%get3A_921, %get3A_922] : memref<1x512xf32, #tpu.memory_space<vmem>>, vector<1x512xf32>
    %add3A_924 = vector.broadcast %get3A_923 : vector<1x512xf32> to vector<2048x512xf32>
    %add3A_925 = arith.addf %add3A_920, %add3A_924 : vector<2048x512xf32>
    %mul3A_926 = arith.constant 0.707106769 : f32
    %mul3A_927 = vector.broadcast %mul3A_926 : f32 to vector<2048x512xf32>
    %mul3A_928 = arith.mulf %add3A_925, %mul3A_927 : vector<2048x512xf32>
    %erf3A_929 = math.erf %mul3A_928 : vector<2048x512xf32>
    %mul3A_930 = arith.mulf %add3A_925, %erf3A_929 : vector<2048x512xf32>
    %add3A_931 = arith.addf %add3A_925, %mul3A_930 : vector<2048x512xf32>
    %convert_element_type3A_932 = arith.truncf %add3A_931 : vector<2048x512xf32> to vector<2048x512xbf16>
    %get3A_933 = arith.constant 0 : index
    %get3A_934 = arith.constant 0 : index
    %get3A_935 = vector.load %arg7[%get3A_933, %get3A_934] : memref<512x256xbf16, #tpu.memory_space<vmem>>, vector<512x256xbf16>
    %dot_general3A_936 = arith.constant dense<0.000000e+00> : vector<2048x256xf32>
    %dot_general3A_937 = tpu.matmul %convert_element_type3A_932, %get3A_935, %dot_general3A_936 {dimension_numbers = #tpu.dot_dimension_numbers<[1], [0], [0], [1], [0, 0, 1, 1], [], []>, transpose_lhs_hint = false} : vector<2048x512xbf16>, vector<512x256xbf16>, vector<2048x256xf32> -> vector<2048x256xf32>
    %get3A_938 = arith.constant 0 : index
    %get3A_939 = arith.constant 0 : index
    %get3A_940 = vector.load %arg8[%get3A_938, %get3A_939] : memref<1x256xf32, #tpu.memory_space<vmem>>, vector<1x256xf32>
    %add3A_941 = vector.broadcast %get3A_940 : vector<1x256xf32> to vector<2048x256xf32>
    %add3A_942 = arith.addf %dot_general3A_937, %add3A_941 : vector<2048x256xf32>
    %slice3A_943 = vector.extract_strided_slice %add3A_942 {offsets = [0, 0], sizes = [256, 256], strides = [1, 1]} : vector<2048x256xf32> to vector<256x256xf32>
    %get3A_944 = arith.constant 0 : index
    %get3A_945 = arith.constant 0 : index
    %get3A_946 = arith.constant 2048 : index
    %get3A_947 = vector.load %arg4[%get3A_944, %get3A_945, %get3A_946] : memref<1x256x4096xf32, #tpu.memory_space<vmem>>, vector<1x256x256xf32>
    %get3A_948 = vector.shape_cast %get3A_947 : vector<1x256x256xf32> to vector<256x256xf32>
    %add3A_949 = arith.addf %slice3A_943, %get3A_948 : vector<256x256xf32>
    %swap3A_950 = arith.constant 0 : index
    %swap3A_951 = arith.constant 0 : index
    %swap3A_952 = arith.constant 2048 : index
    %swap3A_953 = vector.load %arg9[%swap3A_950, %swap3A_951, %swap3A_952] : memref<1x256x4096xf32, #tpu.memory_space<vmem>>, vector<1x256x256xf32>
    %swap3A_954 = vector.shape_cast %swap3A_953 : vector<1x256x256xf32> to vector<256x256xf32>
    %swap3A_955 = vector.shape_cast %add3A_949 : vector<256x256xf32> to vector<1x256x256xf32>
    tpu.vector_store %arg9[%swap3A_950, %swap3A_951, %swap3A_952], %swap3A_955 {strides = array<i32>} : memref<1x256x4096xf32, #tpu.memory_space<vmem>>, vector<1x256x256xf32>,
    %slice3A_956 = vector.extract_strided_slice %add3A_942 {offsets = [256, 0], sizes = [256, 256], strides = [1, 1]} : vector<2048x256xf32> to vector<256x256xf32>
    %get3A_957 = arith.constant 0 : index
    %get3A_958 = arith.constant 0 : index
    %get3A_959 = arith.constant 2304 : index
    %get3A_960 = vector.load %arg4[%get3A_957, %get3A_958, %get3A_959] : memref<1x256x4096xf32, #tpu.memory_space<vmem>>, vector<1x256x256xf32>
    %get3A_961 = vector.shape_cast %get3A_960 : vector<1x256x256xf32> to vector<256x256xf32>
    %add3A_962 = arith.addf %slice3A_956, %get3A_961 : vector<256x256xf32>
    %swap3A_963 = arith.constant 0 : index
    %swap3A_964 = arith.constant 0 : index
    %swap3A_965 = arith.constant 2304 : index
    %swap3A_966 = vector.load %arg9[%swap3A_963, %swap3A_964, %swap3A_965] : memref<1x256x4096xf32, #tpu.memory_space<vmem>>, vector<1x256x256xf32>
    %swap3A_967 = vector.shape_cast %swap3A_966 : vector<1x256x256xf32> to vector<256x256xf32>
    %swap3A_968 = vector.shape_cast %add3A_962 : vector<256x256xf32> to vector<1x256x256xf32>
    tpu.vector_store %arg9[%swap3A_963, %swap3A_964, %swap3A_965], %swap3A_968 {strides = array<i32>} : memref<1x256x4096xf32, #tpu.memory_space<vmem>>, vector<1x256x256xf32>,
    %slice3A_969 = vector.extract_strided_slice %add3A_942 {offsets = [512, 0], sizes = [256, 256], strides = [1, 1]} : vector<2048x256xf32> to vector<256x256xf32>
    %get3A_970 = arith.constant 0 : index
    %get3A_971 = arith.constant 0 : index
    %get3A_972 = arith.constant 2560 : index
    %get3A_973 = vector.load %arg4[%get3A_970, %get3A_971, %get3A_972] : memref<1x256x4096xf32, #tpu.memory_space<vmem>>, vector<1x256x256xf32>
    %get3A_974 = vector.shape_cast %get3A_973 : vector<1x256x256xf32> to vector<256x256xf32>
    %add3A_975 = arith.addf %slice3A_969, %get3A_974 : vector<256x256xf32>
    %swap3A_976 = arith.constant 0 : index
    %swap3A_977 = arith.constant 0 : index
    %swap3A_978 = arith.constant 2560 : index
    %swap3A_979 = vector.load %arg9[%swap3A_976, %swap3A_977, %swap3A_978] : memref<1x256x4096xf32, #tpu.memory_space<vmem>>, vector<1x256x256xf32>
    %swap3A_980 = vector.shape_cast %swap3A_979 : vector<1x256x256xf32> to vector<256x256xf32>
    %swap3A_981 = vector.shape_cast %add3A_975 : vector<256x256xf32> to vector<1x256x256xf32>
    tpu.vector_store %arg9[%swap3A_976, %swap3A_977, %swap3A_978], %swap3A_981 {strides = array<i32>} : memref<1x256x4096xf32, #tpu.memory_space<vmem>>, vector<1x256x256xf32>,
    %slice3A_982 = vector.extract_strided_slice %add3A_942 {offsets = [768, 0], sizes = [256, 256], strides = [1, 1]} : vector<2048x256xf32> to vector<256x256xf32>
    %get3A_983 = arith.constant 0 : index
    %get3A_984 = arith.constant 0 : index
    %get3A_985 = arith.constant 2816 : index
    %get3A_986 = vector.load %arg4[%get3A_983, %get3A_984, %get3A_985] : memref<1x256x4096xf32, #tpu.memory_space<vmem>>, vector<1x256x256xf32>
    %get3A_987 = vector.shape_cast %get3A_986 : vector<1x256x256xf32> to vector<256x256xf32>
    %add3A_988 = arith.addf %slice3A_982, %get3A_987 : vector<256x256xf32>
    %swap3A_989 = arith.constant 0 : index
    %swap3A_990 = arith.constant 0 : index
    %swap3A_991 = arith.constant 2816 : index
    %swap3A_992 = vector.load %arg9[%swap3A_989, %swap3A_990, %swap3A_991] : memref<1x256x4096xf32, #tpu.memory_space<vmem>>, vector<1x256x256xf32>
    %swap3A_993 = vector.shape_cast %swap3A_992 : vector<1x256x256xf32> to vector<256x256xf32>
    %swap3A_994 = vector.shape_cast %add3A_988 : vector<256x256xf32> to vector<1x256x256xf32>
    tpu.vector_store %arg9[%swap3A_989, %swap3A_990, %swap3A_991], %swap3A_994 {strides = array<i32>} : memref<1x256x4096xf32, #tpu.memory_space<vmem>>, vector<1x256x256xf32>,
    %slice3A_995 = vector.extract_strided_slice %add3A_942 {offsets = [1024, 0], sizes = [256, 256], strides = [1, 1]} : vector<2048x256xf32> to vector<256x256xf32>
    %get3A_996 = arith.constant 0 : index
    %get3A_997 = arith.constant 0 : index
    %get3A_998 = arith.constant 3072 : index
    %get3A_999 = vector.load %arg4[%get3A_996, %get3A_997, %get3A_998] : memref<1x256x4096xf32, #tpu.memory_space<vmem>>, vector<1x256x256xf32>
    %get3A_1000 = vector.shape_cast %get3A_999 : vector<1x256x256xf32> to vector<256x256xf32>
    %add3A_1001 = arith.addf %slice3A_995, %get3A_1000 : vector<256x256xf32>
    %swap3A_1002 = arith.constant 0 : index
    %swap3A_1003 = arith.constant 0 : index
    %swap3A_1004 = arith.constant 3072 : index
    %swap3A_1005 = vector.load %arg9[%swap3A_1002, %swap3A_1003, %swap3A_1004] : memref<1x256x4096xf32, #tpu.memory_space<vmem>>, vector<1x256x256xf32>
    %swap3A_1006 = vector.shape_cast %swap3A_1005 : vector<1x256x256xf32> to vector<256x256xf32>
    %swap3A_1007 = vector.shape_cast %add3A_1001 : vector<256x256xf32> to vector<1x256x256xf32>
    tpu.vector_store %arg9[%swap3A_1002, %swap3A_1003, %swap3A_1004], %swap3A_1007 {strides = array<i32>} : memref<1x256x4096xf32, #tpu.memory_space<vmem>>, vector<1x256x256xf32>,
    %slice3A_1008 = vector.extract_strided_slice %add3A_942 {offsets = [1280, 0], sizes = [256, 256], strides = [1, 1]} : vector<2048x256xf32> to vector<256x256xf32>
    %get3A_1009 = arith.constant 0 : index
    %get3A_1010 = arith.constant 0 : index
    %get3A_1011 = arith.constant 3328 : index
    %get3A_1012 = vector.load %arg4[%get3A_1009, %get3A_1010, %get3A_1011] : memref<1x256x4096xf32, #tpu.memory_space<vmem>>, vector<1x256x256xf32>
    %get3A_1013 = vector.shape_cast %get3A_1012 : vector<1x256x256xf32> to vector<256x256xf32>
    %add3A_1014 = arith.addf %slice3A_1008, %get3A_1013 : vector<256x256xf32>
    %swap3A_1015 = arith.constant 0 : index
    %swap3A_1016 = arith.constant 0 : index
    %swap3A_1017 = arith.constant 3328 : index
    %swap3A_1018 = vector.load %arg9[%swap3A_1015, %swap3A_1016, %swap3A_1017] : memref<1x256x4096xf32, #tpu.memory_space<vmem>>, vector<1x256x256xf32>
    %swap3A_1019 = vector.shape_cast %swap3A_1018 : vector<1x256x256xf32> to vector<256x256xf32>
    %swap3A_1020 = vector.shape_cast %add3A_1014 : vector<256x256xf32> to vector<1x256x256xf32>
    tpu.vector_store %arg9[%swap3A_1015, %swap3A_1016, %swap3A_1017], %swap3A_1020 {strides = array<i32>} : memref<1x256x4096xf32, #tpu.memory_space<vmem>>, vector<1x256x256xf32>,
    %slice3A_1021 = vector.extract_strided_slice %add3A_942 {offsets = [1536, 0], sizes = [256, 256], strides = [1, 1]} : vector<2048x256xf32> to vector<256x256xf32>
    %get3A_1022 = arith.constant 0 : index
    %get3A_1023 = arith.constant 0 : index
    %get3A_1024 = arith.constant 3584 : index
    %get3A_1025 = vector.load %arg4[%get3A_1022, %get3A_1023, %get3A_1024] : memref<1x256x4096xf32, #tpu.memory_space<vmem>>, vector<1x256x256xf32>
    %get3A_1026 = vector.shape_cast %get3A_1025 : vector<1x256x256xf32> to vector<256x256xf32>
    %add3A_1027 = arith.addf %slice3A_1021, %get3A_1026 : vector<256x256xf32>
    %swap3A_1028 = arith.constant 0 : index
    %swap3A_1029 = arith.constant 0 : index
    %swap3A_1030 = arith.constant 3584 : index
    %swap3A_1031 = vector.load %arg9[%swap3A_1028, %swap3A_1029, %swap3A_1030] : memref<1x256x4096xf32, #tpu.memory_space<vmem>>, vector<1x256x256xf32>
    %swap3A_1032 = vector.shape_cast %swap3A_1031 : vector<1x256x256xf32> to vector<256x256xf32>
    %swap3A_1033 = vector.shape_cast %add3A_1027 : vector<256x256xf32> to vector<1x256x256xf32>
    tpu.vector_store %arg9[%swap3A_1028, %swap3A_1029, %swap3A_1030], %swap3A_1033 {strides = array<i32>} : memref<1x256x4096xf32, #tpu.memory_space<vmem>>, vector<1x256x256xf32>,
    %slice3A_1034 = vector.extract_strided_slice %add3A_942 {offsets = [1792, 0], sizes = [256, 256], strides = [1, 1]} : vector<2048x256xf32> to vector<256x256xf32>
    %get3A_1035 = arith.constant 0 : index
    %get3A_1036 = arith.constant 0 : index
    %get3A_1037 = arith.constant 3840 : index
    %get3A_1038 = vector.load %arg4[%get3A_1035, %get3A_1036, %get3A_1037] : memref<1x256x4096xf32, #tpu.memory_space<vmem>>, vector<1x256x256xf32>
    %get3A_1039 = vector.shape_cast %get3A_1038 : vector<1x256x256xf32> to vector<256x256xf32>
    %add3A_1040 = arith.addf %slice3A_1034, %get3A_1039 : vector<256x256xf32>
    %swap3A_1041 = arith.constant 0 : index
    %swap3A_1042 = arith.constant 0 : index
    %swap3A_1043 = arith.constant 3840 : index
    %swap3A_1044 = vector.load %arg9[%swap3A_1041, %swap3A_1042, %swap3A_1043] : memref<1x256x4096xf32, #tpu.memory_space<vmem>>, vector<1x256x256xf32>
    %swap3A_1045 = vector.shape_cast %swap3A_1044 : vector<1x256x256xf32> to vector<256x256xf32>
    %swap3A_1046 = vector.shape_cast %add3A_1040 : vector<256x256xf32> to vector<1x256x256xf32>
    tpu.vector_store %arg9[%swap3A_1041, %swap3A_1042, %swap3A_1043], %swap3A_1046 {strides = array<i32>} : memref<1x256x4096xf32, #tpu.memory_space<vmem>>, vector<1x256x256xf32>,
    return
  }
  func.func @transform_0(%arg0: i32, %arg1: i32, %arg2: memref<4x16x4xi32, #tpu.memory_space<smem>>) -> (i32, i32, i32, i32) {
    %c0_i32 = arith.constant 0 : i32
    %c0_i32_0 = arith.constant 0 : i32
    %c0_i32_1 = arith.constant 0 : i32
    return %arg0, %c0_i32, %arg1, %c0_i32_0 : i32, i32, i32, i32
  }
  func.func @transform_1(%arg0: i32, %arg1: i32, %arg2: memref<4x16x4xi32, #tpu.memory_space<smem>>) -> (i32, i32, i32) {
    %c0_i32 = arith.constant 0 : i32
    %c0_i32_0 = arith.constant 0 : i32
    return %arg0, %arg1, %c0_i32 : i32, i32, i32
  }
  func.func @transform_2(%arg0: i32, %arg1: i32, %arg2: memref<4x16x4xi32, #tpu.memory_space<smem>>) -> (i32, i32) {
    %c0_i32 = arith.constant 0 : i32
    %c0_i32_0 = arith.constant 0 : i32
    %c0_i32_1 = arith.constant 0 : i32
    return %c0_i32, %c0_i32_0 : i32, i32
  }
  func.func @transform_3(%arg0: i32, %arg1: i32, %arg2: memref<4x16x4xi32, #tpu.memory_space<smem>>) -> (i32, i32) {
    %c0_i32 = arith.constant 0 : i32
    %c0_i32_0 = arith.constant 0 : i32
    %c0_i32_1 = arith.constant 0 : i32
    return %c0_i32, %c0_i32_0 : i32, i32
  }
  func.func @transform_4(%arg0: i32, %arg1: i32, %arg2: memref<4x16x4xi32, #tpu.memory_space<smem>>) -> (i32, i32) {
    %c0_i32 = arith.constant 0 : i32
    %c0_i32_0 = arith.constant 0 : i32
    %c0_i32_1 = arith.constant 0 : i32
    return %c0_i32, %c0_i32_0 : i32, i32
  }
  func.func @transform_5(%arg0: i32, %arg1: i32, %arg2: memref<4x16x4xi32, #tpu.memory_space<smem>>) -> (i32, i32) {
    %c0_i32 = arith.constant 0 : i32
    %c0_i32_0 = arith.constant 0 : i32
    %c0_i32_1 = arith.constant 0 : i32
    return %c0_i32, %c0_i32_0 : i32, i32
  }
  func.func @transform_6(%arg0: i32, %arg1: i32, %arg2: memref<4x16x4xi32, #tpu.memory_space<smem>>) -> (i32, i32, i32) {
    %c0_i32 = arith.constant 0 : i32
    %c0_i32_0 = arith.constant 0 : i32
    return %arg0, %arg1, %c0_i32 : i32, i32, i32
  }
}

</mosaic_0001>

<sc_bundles>
// kernel: kernel.6.cloned.1.call-start
scs
__scs_entry_jumppad:
0x0: {  	(pc) =	sbr.rel $0x88, $3  }
0x1: {  	(tag) =	ssettag $0x0;
	lr =	simm.s32 $0x1  }
0x2: {  	[smem:$0x3F96] =	sst lr;
	_ =	strace $0xD0000000  }
0x3: {  	_ = 	snop  }
0x4: {  	_ = 	snop  }
0x5: {  	_ = 	snop  }
0x6: {  	_ = 	snop  }
0x7: {  	_ = 	snop  }
__scs_overlays_trampoline_lowered:
0x8: {  	[smem:$0x3FA5] =	sst s0  }
0x9: {  	[smem:$0x3FA6] =	sst s1  }
0xa: {  	[smem:$0x3FA7] =	sst s2  }
0xb: {  	[smem:$0x3FA8] =	sst s3  }
0xc: {  	[smem:$0x3FA9] =	sst s4  }
0xd: {  	[smem:$0x3FAA] =	sst s5  }
0xe: {  	[smem:$0x3FAB] =	sst s6  }
0xf: {  	[smem:$0x3FAC] =	sst s7  }
0x10: {  	[smem:$0x3FAD] =	sst s8  }
0x11: {  	[smem:$0x3FAE] =	sst s9;
	s0 =	simm.s32 @!p0 $0x0  }
0x12: {  	s1 =	sld [smem:$0x3F94];
	s0 =	simm.s32 @p0 $0x1  }
0x13: {  	[smem:$0x3FAF] =	sst s0;
	s0 =	simm.s32 @!p1 $0x0  }
0x14: {  	s2 =	sld [smem:$0x3F93];
	s0 =	simm.s32 @p1 $0x1  }
0x15: {  	[smem:$0x3FB0] =	sst s0;
	s0 =	simm.s32 @!p2 $0x0  }
0x16: {  	s3 =	sld [smem:$0x3FDB];
	s0 =	simm.s32 @p2 $0x1  }
0x17: {  	s4 =	simm.s32 $0x1BF5;
	[smem:$0x3FB2] =	sst s0  }
0x18: {  	s0 =	sld [smem:$0x3F95];
	_ =	swait.ge [sflag:s4], $0x0  }
0x19: {  	s7 =	sld [smem:$0x3F96]  }
0x1a: {  	s8 =	sadd.s32 $0xFFFFE003, lr  }
0x1b: {  	s9 =	sadd.s32 $0xFFFFFEF7, lr;
	s5 =	simm.s32 $0xFFFFFFFF;
	p2 =	slt.u32 s8, $0xFFFFF086  }
0x1c: {  	p1 =	slt.u32 s9, $0xF7A;
	s5 =	simm.s32 @!p2 $0x0  }
0x1d: {  	s5 =	simm.s32 @p1 $0x1;
	p0 =	seq.s32 s7, s2  }
0x1e: {  	s7 =	smul.u32 @!p0 $0xF7A, s2;
	p2 =	seq.s32 @!p0 s5, $0x0  }
0x1f: {  	s9 =	smul.u32 $0xF7A, s1;
	s8 =	simm.s32 @!p0 $0x1BF5;
	p2 =	por !p2, p0  }
0x20: {  	[sflag:s8] =	ssyncset.s32 @!p0 $0xFFFFF086;
	s6 =	sadd.s32 @!p0 s3, s7;
	s7 =	simm.s32 @!p0 $0x108  }
0x21: {  	s3 =	sadd.s32 s3, s9;
	s6 =	sadd.s32 @!p0 $0x88, s6;
	s7 =	simm.s32 @p2 $0x1082  }
0x22: {  	[simem:s7], [sflag:s8] =	dma.local @!p0 [hbm:s6], $0xF7A  }
0x23: {  	s9 =	sor.u32 $0xD0000000, s2;
	s6 =	simm.s32 $0x108;
	_ =	swait.ge @!p0 [sflag:s8], $0x0  }
0x24: {  	s3 =	sadd.s32 $0x88, s3;
	s6 =	simm.s32 @!p1 $0x1082;
	[sflag:s4] =	ssyncset.s32 $0xFFFFF086  }
0x25: {  	[simem:s6], [sflag:s4] =	dma.local [hbm:s3], $0xF7A  }
0x26: {  	[smem:$0x3F96] =	sst s1;
	(tag) =	ssettag s2;
	_ =	strace s9  }
0x27: {  	s1 =	sld [smem:$0x3FA6]  }
0x28: {  	s2 =	sld [smem:$0x3FA7]  }
0x29: {  	s4 =	sld [smem:$0x3FA9]  }
0x2a: {  	p0 =	seq.s32 s5, $0x0;
	s5 =	sld [smem:$0x3FAA]  }
0x2b: {  	s6 =	sld [smem:$0x3FAB]  }
0x2c: {  	s7 =	sld [smem:$0x3FAC]  }
0x2d: {  	s3 =	simm.s32 $0x108;
	s8 =	sld [smem:$0x3FAD]  }
0x2e: {  	s3 =	simm.s32 @!p0 $0x1082;
	s9 =	sld [smem:$0x3FAE]  }
0x2f: {  	lr =	sadd.s32 s0, s3;
	s0 =	sld [smem:$0x3FA5]  }
0x30: {  	s3 =	sld [smem:$0x3FA8]  }
0x31: {  	[smem:$0x3FB1] =	sst s10  }
0x32: {  	s10 =	sld [smem:$0x3FAF];
	_ =	sdelay $0x3  }
0x33: {  	p0 =	seq.s32 s10, $0x1;
	s10 =	sld [smem:$0x3FB1];
	_ =	sdelay $0x3  }
0x34: {  	[smem:$0x3FB1] =	sst s10  }
0x35: {  	s10 =	sld [smem:$0x3FB0];
	_ =	sdelay $0x3  }
0x36: {  	p1 =	seq.s32 s10, $0x1;
	s10 =	sld [smem:$0x3FB1];
	_ =	sdelay $0x3  }
0x37: {  	[smem:$0x3FB1] =	sst s10  }
0x38: {  	s10 =	sld [smem:$0x3FB2]  }
0x39: {  	_ = 	snop;
	(pc) =	sbr.ind lr, $3  }
0x3a: {  	_ = 	snop  }
0x3b: {  	_ = 	snop  }
0x3c: {  	p2 =	seq.s32 s10, $0x1;
	s10 =	sld [smem:$0x3FB1]  }
0x3d: {  	_ =	shalt  }
0x3e: {  	_ =	shalt  }
0x3f: {  	_ =	shalt  }
0x40: {  	_ =	shalt  }
0x41: {  	_ =	shalt  }
0x42: {  	_ =	shalt  }
0x43: {  	_ =	shalt  }
0x44: {  	_ =	shalt  }
0x45: {  	_ =	shalt  }
0x46: {  	_ =	shalt  }
0x47: {  	_ =	shalt  }
0x48: {  	_ =	shalt  }
0x49: {  	_ =	shalt  }
0x4a: {  	_ =	shalt  }
0x4b: {  	_ =	shalt  }
0x4c: {  	_ =	shalt  }
0x4d: {  	_ =	shalt  }
0x4e: {  	_ =	shalt  }
0x4f: {  	_ =	shalt  }
0x50: {  	_ =	shalt  }
0x51: {  	_ =	shalt  }
0x52: {  	_ =	shalt  }
0x53: {  	_ =	shalt  }
0x54: {  	_ =	shalt  }
0x55: {  	_ =	shalt  }
0x56: {  	_ =	shalt  }
0x57: {  	_ =	shalt  }
0x58: {  	_ =	shalt  }
0x59: {  	_ =	shalt  }
0x5a: {  	_ =	shalt  }
0x5b: {  	_ =	shalt  }
0x5c: {  	_ =	shalt  }
0x5d: {  	_ =	shalt  }
0x5e: {  	_ =	shalt  }
0x5f: {  	_ =	shalt  }
0x60: {  	_ =	shalt  }
0x61: {  	_ =	shalt  }
0x62: {  	_ =	shalt  }
0x63: {  	_ =	shalt  }
0x64: {  	_ =	shalt  }
0x65: {  	_ =	shalt  }
0x66: {  	_ =	shalt  }
0x67: {  	_ =	shalt  }
0x68: {  	_ =	shalt  }
0x69: {  	_ =	shalt  }
0x6a: {  	_ =	shalt  }
0x6b: {  	_ =	shalt  }
0x6c: {  	_ =	shalt  }
0x6d: {  	_ =	shalt  }
0x6e: {  	_ =	shalt  }
0x6f: {  	_ =	shalt  }
0x70: {  	_ =	shalt  }
0x71: {  	_ =	shalt  }
0x72: {  	_ =	shalt  }
0x73: {  	_ =	shalt  }
0x74: {  	_ =	shalt  }
0x75: {  	_ =	shalt  }
0x76: {  	_ =	shalt  }
0x77: {  	_ =	shalt  }
0x78: {  	_ =	shalt  }
0x79: {  	_ =	shalt  }
0x7a: {  	_ =	shalt  }
0x7b: {  	_ =	shalt  }
0x7c: {  	_ =	shalt  }
0x7d: {  	_ =	shalt  }
0x7e: {  	_ =	shalt  }
0x7f: {  	_ =	shalt  }
0x80: {  	_ =	shalt  }
0x81: {  	_ =	shalt  }
0x82: {  	_ =	shalt  }
0x83: {  	_ =	shalt  }
0x84: {  	_ =	shalt  }
0x85: {  	_ =	shalt  }
0x86: {  	_ =	shalt  }
0x87: {  	_ =	shalt  }
.Lfunc_end0:
.L_simem_size_0:
called_computation_lowered:
.L_overlay_start_0:
0x88: {  	s2 =	sld [smem:$0x3FD9]  }
0x89: {  	s3 =	sld [smem:$0x3FFE];
	_ =	sdelay $0x1  }
0x8a: {  	s1 =	srdreg.scid  }
0x8b: {  	s0 =	sand.u32 $0x1, s1  }
0x8c: {  	s17 =	sshll.u32 s0, $0xA;
	s2 =	sadd.s32 s3, s2  }
0x8d: {  	s2 =	sadd.s32 s2, s17  }
0x8e: {  	[smem:$0x3FBD] =	sst s2  }
0x8f: {  	_ = 	snop  }
0x90: {  	s2 =	sld [smem:$0x3FD0];
	(tm) =	ssettm $0x1  }
0x91: {  	s18 =	sld [smem:$0x3FFB];
	_ =	sdelay $0x3  }
0x92: {  	_ =	strace s18  }
0x93: {  	s3 =	sld [smem:$0x3FFC];
	_ =	sdelay $0x3  }
0x94: {  	_ =	strace s3  }
0x95: {  	s3 =	sld [smem:$0x3FFD];
	_ =	sdelay $0x3  }
0x96: {  	_ =	strace s3  }
0x97: {  	_ =	strace $0x8FFFFFFF  }
0x98: {  	s19 =	sld [smem:$0x3FDB];
	_ =	sdelay $0x1  }
0x99: {  	s4 =	simm.s32 $_scs_section_size  }
0x9a: {  	s5 =	simm.s32 $_size__tile_overlayer_lowered;
	s6 =	simm.s32 $_tile_overlayer_lowered  }
0x9b: {  	s22 =	simm.s32 $0x1BFF;
	s21 =	sshll.u32 s6, $0x1;
	s3 =	sadd.s32 s4, s19  }
0x9c: {  	s7 =	simm.s32 $0x0;
	s20 =	sshll.u32 s5, $0x1;
	s5 =	sadd.s32 s21, s3  }
0x9d: {  	[timem:s7], [sflag:s22] =	dma.local [hbm:s5], s20  }
0x9e: {  	_ =	swait.ge [sflag:s22], s20  }
0x9f: {  	s4 =	ssub.s32 $0x0, s20;
	[sflag:s22] =	ssyncset.done $0x0  }
0xa0: {  	[sflag:s22] =	ssyncadd.s32 s4;
	_ =	sdelay $0x1  }
0xa1: {  	s23 =	simm.s32 $0x1B8B  }
0xa2: {  	_ =	swait.ge [sflag:s23], $0x1  }
0xa3: {  	[sflag:s23] =	ssyncset.done $0x0  }
0xa4: {  	s25 =	simm.s32 $0x1B8E;
	s24 =	sld [smem:$0x3FFE];
	[sflag:s23] =	ssyncadd.s32 $0xFFFFFFFF  }
0xa5: {  	s26 =	simm.s32 $execute0_lowered;
	[smem:$0x3FD2] =	sst s25  }
0xa6: {  	s5 =	sshll.u32 s26, $0x1;
	_ =	strace $0x80000046;
	[dreg:$0x1] =	wrdreg $0xFFFFFFFF  }
0xa7: {  	s28 =	simm.s32 $_size_execute0_lowered;
	s3 =	sadd.s32 s3, s5;
	[dreg:$0x0] =	wrdreg $0x0  }
0xa8: {  	s5 =	sshll.u32 s28, $0x1;
	[dreg:$0x2] =	wrdreg s3  }
0xa9: {  	[dreg:$0x3] =	wrdreg s5  }
0xaa: {  	[dreg:$0x4] =	wrdreg $0xC0  }
0xab: {  	_ =	task [dreg:s7], $0x5FFFF  }
0xac: {  	[dreg:$0x1] =	wrdreg $0xFFFFFFFF  }
0xad: {  	[dreg:$0x0] =	wrdreg $0x60  }
0xae: {  	[dreg:$0x2] =	wrdreg s2  }
0xaf: {  	[dreg:$0x3] =	wrdreg s24  }
0xb0: {  	[dreg:$0x4] =	wrdreg $0x9  }
0xb1: {  	_ =	task.clear_ibuf [dreg:s7], $0x5FFFF;
	_ =	strace $0x90000046  }
0xb2: {  	s29 =	simm.s32 $0x9;
	_ =	strace $0x80000048  }
0xb3: {  	_ =	swait.ge [sflag:s29], $0x1  }
0xb4: {  	[sflag:s29] =	ssyncadd.s32 $0xFFFFFFFF  }
0xb5: {  	_ =	strace $0x90000048  }
0xb6: {  	_ =	sfence  }
0xb7: {  	s30 =	sld [smem:$0x0];
	_ =	sdelay $0x2  }
0xb8: {  	s31 =	sshll.u32 s1, $0xD;
	s1 =	sshrl.u32 s1, $0x2  }
0xb9: {  	s3 =	sand.u32 $0x4000, s31;
	s1 =	sadd.s32 s1, s30  }
0xba: {  	s0 =	sor.u32 s3, s0;
	s1 =	sshll.u32 s1, $0x11  }
0xbb: {  	s0 =	sor.u32 s1, s0  }
0xbc: {  	s0 =	sadd.s32 $0x8F2B, s0  }
0xbd: {  	[sflag:s0] =	ssyncadd.remote.s32 $0x1  }
0xbe: {  	_ =	sfence.sel $0xFFFF  }
0xbf: {  	[dreg:$0x0] =	wrdreg $0xFFFFFFFF;
	(pc) =	sbr.abs _section_cstart, $3  }
0xc0: {  	[dreg:$0x1] =	wrdreg $0xFFFFFFFF  }
0xc1: {  	_ =	task.clear_ibuf [dreg:s7], $0x2FFFF;
	_ =	strace $0x9FFFFFFF  }
0xc2: {  	(tm) =	ssettm $0x7FFFFFFF  }
0xc3: {  	_ =	shalt  }
tec
execute0_lowered:
.L_overlay_start_1:
0x0: {  	(tag) =	ssettag $0x1  }
0x1: {  	s3 =	rddreg [dreg:$0x0]  }
0x2: {  	s5 =	rddreg [dreg:$0x1];
	s2 =	srdreg.scid  }
0x3: {  	s0 =	rddreg [dreg:$0x2];
	s1 =	stileid.u32;
	s6 =	sand.u32 $0x1, s2  }
0x4: {  	s2 =	simm.s32 $0x0;
	s4 =	sshll.u32 s1, $0x6;
	s7 =	sshll.u32 s6, $0x5  }
0x5: {  	[smem:$0x7FF] =	sst s2;
	s7 =	sor.u32 s7, s4  }
0x6: {  	_ =	strace $0x80000047;
	s4 =	sadd.s32 s3, s7;
	s3 =	simm.s32 $0x1  }
0x7: {  	[tilespmem:s2], [sflag:$0x1] =	stream.linear.gather [hbm4b:s4+s2], $0x100, $0x38;
	[tilespmem:$0x200] =	vst v63  }
0x8: {  	_ =	swait.ge [sflag:s3], $0x100  }
0x9: {  	[sflag:s3] =	ssyncset.done $0x0  }
0xa: {  	[sflag:s3] =	ssyncadd.s32 $0xFFFFFF00  }
0xb: {  	v1 =	vld [tilespmem:$0x0]  }
0xc: {  	v2 =	vld [tilespmem:$0x80];
	_ =	sdelay $0x2  }
0xd: {  	v0 =	vlaneseq.u32  }
0xe: {  	(xrf1) =	vsort.dscd.msk.f32 $0xffff, v1, v0  }
0xf: {  	(xrf1) =	vsort.dscd.msk.f32 $0xffff, v2, v0;
	_ =	sdelay $0x7  }
0x10: {  	s6 =	ssub.s32 $0x2, s6  }
0x11: {  	s8 =	sshrl.u32 s6, $0x1  }
0x12: {  	s6 =	ssub.s32 s6, s8  }
0x13: {  	s31 =	smax.u32 s6, $0x1  }
0x14: {  	p0 =	sne.s32 s31, $0x1  }
.Ltmp0:
0x15: {  	_, v1, _ =	vpop (xrf1);
	(pc) =	sbr.rel @!p0 .LBB2_2-.Ltmp0, $4  }
0x16: {  	s5 =	sadd.s32 s7, s5;
	[tilespmem:$0x100] =	vst v1;
	_, v1, _ =	vpop (xrf1)  }
0x17: {  	s5 =	sadd.s32 $0x201A00, s5;
	s6 =	simm.s32 $0x100;
	[tilespmem:$0x180] =	vst v1  }
0x18: {  	[hbm4b:s5+s2] =	stream.linear.scatter [tilespmem:s6], [sflag:$0x1], $0x100, $0x38;
	[tilespmem:$0x200] =	vst v63  }
0x19: {  	s7 =	sadd.s32 $0xFFFFFFFF, s31;
	_ =	swait.ge [sflag:s3], $0x100  }
.LBB2_1:
0x1a: {  	p0 =	sne.s32 s7, $0x1;
	s7 =	sadd.s32 $0xFFFFFFFF, s7;
	[sflag:s3] =	ssyncset.done $0x0  }
0x1b: {  	[sflag:s3] =	ssyncadd.s32 $0xFFFFFF00  }
0x1c: {  	[tilespmem:s2], [sflag:$0x1] =	stream.linear.gather [hbm4b:s4+s2], $0x100, $0x38;
	[tilespmem:$0x200] =	vst v63  }
0x1d: {  	_ =	swait.ge [sflag:s3], $0x100  }
0x1e: {  	[sflag:s3] =	ssyncset.done $0x0  }
0x1f: {  	[sflag:s3] =	ssyncadd.s32 $0xFFFFFF00  }
0x20: {  	v1 =	vld [tilespmem:$0x0]  }
0x21: {  	v2 =	vld [tilespmem:$0x80];
	_ =	sdelay $0x3  }
0x22: {  	(xrf1) =	vsort.dscd.msk.f32 $0xffff, v1, v0  }
0x23: {  	(xrf1) =	vsort.dscd.msk.f32 $0xffff, v2, v0;
	_ =	sdelay $0xc  }
.Ltmp1:
0x24: {  	_, v1, _ =	vpop (xrf1);
	(pc) =	sbr.rel @p0 .LBB2_1-.Ltmp1, $4  }
0x25: {  	[tilespmem:$0x100] =	vst v1;
	_, v1, _ =	vpop (xrf1)  }
0x26: {  	[tilespmem:$0x180] =	vst v1  }
0x27: {  	[hbm4b:s5+s2] =	stream.linear.scatter [tilespmem:s6], [sflag:$0x1], $0x100, $0x38;
	[tilespmem:$0x200] =	vst v63  }
0x28: {  	_ =	swait.ge [sflag:s3], $0x100  }
.LBB2_2:
0x29: {  	[sflag:s3] =	ssyncset.done $0x0  }
0x2a: {  	[sflag:s3] =	ssyncadd.s32 $0xFFFFFF00  }
0x2b: {  	_ =	sfence.sel $0x180000  }
0x2c: {  	[bflag:$0x0] =	sbarrier.arrive $0xFFFF  }
0x2d: {  	p0 =	sne.s32 s1, $0x0;
	_ =	strace $0x90000047  }
0x2e: {  	s0 =	sadd.s32 @!p0 $0x100000, s0;
	[bflag:$0x2] =	sbarrier.arrive $0xFFFF  }
0x2f: {  	[sflag:s0] =	ssyncadd.tile.s32 @!p0 $0x1;
	_ =	shalt  }
.Lfunc_end2:
_tile_overlayer_lowered:
.L_overlay_start_2:
0x30: {  	(tag) =	ssettag $0x2  }
0x31: {  	s0 =	rddreg [dreg:$0x0];
	s2 =	stileid.u32  }
0x32: {  	s1 =	rddreg [dreg:$0x1];
	p0 =	sne.s32 s2, $0x0  }
0x33: {  	s3 =	rddreg [dreg:$0x2];
	[bflag:$0x3] =	sbarrier.arrive $0xFFFF;
	s2 =	simm.s32 @!p0 $0x1C01  }
0x34: {  	[timem:s3], [sflag:s2] =	dma.local @!p0 [hbm:s0], s1  }
0x35: {  	s0 =	simm.s32 @!p0 $0x1  }
0x36: {  	_ =	swait.ge @!p0 [sflag:s0], s1  }
0x37: {  	s1 =	ssub.s32 @!p0 $0x0, s1;
	[sflag:s0] =	ssyncset.done @!p0 $0x0  }
0x38: {  	[sflag:s0] =	ssyncadd.s32 @!p0 s1  }
0x39: {  	[bflag:$0x3] =	sbarrier.arrive $0xFFFF  }
0x3a: {  	_ =	shalt  }

</sc_bundles>
